<compile_context>
chip_gen: v7x
topology: tpu7x:2x2x1
jax: 0.10.2.dev20260603
libtpu: 0.0.44.dev20260713+nightly
codegen_flags: <defaults>
</compile_context>

<pallas_src>
import functools

import jax
import jax.numpy as jnp
from jax import lax
from jax.experimental import pallas as pl
from jax.experimental.pallas import tpu as pltpu
from jax.experimental.pallas import tpu_sc as plsc

N = 10000
E = 320000
F = 128
NP = 10240
NC = 2
NS = 16
K = 128
KT = 16
ROWS_PER_TILE = NP // NS
EDGES_PER_CORE = E // NC
EDGES_PER_TILE = EDGES_PER_CORE // NS
CHUNKS = EDGES_PER_TILE // K
SLABS = ROWS_PER_TILE // K


def _make_sc_agg():
    mesh = plsc.VectorSubcoreMesh(core_axis_name="c", subcore_axis_name="s")

    @functools.partial(
        pl.kernel,
        mesh=mesh,
        out_type=[
            jax.ShapeDtypeStruct((NC * NP, F), jnp.float32),
            jax.ShapeDtypeStruct((NC * NP, F), jnp.float32),
        ],
        scratch_types=[
            pltpu.VMEM_SHARED((NP, F), jnp.float32),
            pltpu.VMEM((K,), jnp.int32),
            pltpu.VMEM((K,), jnp.int32),
            pltpu.VMEM((K,), jnp.int32),
            pltpu.VMEM((K,), jnp.int32),
            pltpu.VMEM((K, F), jnp.float32),
            pltpu.VMEM((K, F), jnp.float32),
            pltpu.VMEM((KT,), jnp.int32),
            pltpu.VMEM((KT,), jnp.int32),
            pltpu.VMEM((KT, F), jnp.float32),
            pltpu.SemaphoreType.DMA,
            pltpu.SemaphoreType.DMA,
        ],
    )
    def sc_agg(x_h, src_h, dst_h, zrow_h, ones_h, s_out, d_out,
               s_sh, src_a, dst_a, src_b, dst_b, rows_a, rows_b,
               src_t, dst_t, rows_t, sem_a, sem_b):
        c = lax.axis_index("c")
        s = lax.axis_index("s")
        rbase = s * ROWS_PER_TILE
        obase = c * NP + rbase
        ebase = c * EDGES_PER_CORE + s * EDGES_PER_TILE

        def zero_own_slice():
            pltpu.sync_copy(zrow_h, rows_a)
            for j in range(SLABS):
                pltpu.sync_copy(rows_a, s_sh.at[pl.ds(rbase + j * K, K)])

        def writeback(dst_hbm):
            for j in range(SLABS):
                pltpu.sync_copy(s_sh.at[pl.ds(rbase + j * K, K)], rows_a)
                pltpu.sync_copy(rows_a, dst_hbm.at[pl.ds(obase + j * K, K)])

        def load_idx(i, src_v, dst_v):
            off = pl.multiple_of(ebase + i * K, 8)
            pltpu.sync_copy(src_h.at[pl.ds(off, K)], src_v)
            pltpu.sync_copy(dst_h.at[pl.ds(off, K)], dst_v)

        zero_own_slice()
        plsc.subcore_barrier()

        load_idx(0, src_a, dst_a)
        ga = pltpu.async_copy(x_h.at[src_a], rows_a, sem_a)
        load_idx(1, src_b, dst_b)
        gb = pltpu.async_copy(x_h.at[src_b], rows_b, sem_b)

        def pair_sum(p, carry):
            i0 = p * 2
            ga.wait()
            pltpu.sync_copy(rows_a, s_sh.at[dst_a], add=True)

            @pl.when(i0 + 2 < CHUNKS)
            def _():
                load_idx(i0 + 2, src_a, dst_a)
                pltpu.async_copy(x_h.at[src_a], rows_a, sem_a)

            gb.wait()
            pltpu.sync_copy(rows_b, s_sh.at[dst_b], add=True)

            @pl.when(i0 + 3 < CHUNKS)
            def _():
                load_idx(i0 + 3, src_b, dst_b)
                pltpu.async_copy(x_h.at[src_b], rows_b, sem_b)

            return carry

        lax.fori_loop(0, CHUNKS // 2, pair_sum, 0)
        toff = pl.multiple_of(ebase + CHUNKS * K, 8)
        pltpu.sync_copy(src_h.at[pl.ds(toff, KT)], src_t)
        pltpu.sync_copy(dst_h.at[pl.ds(toff, KT)], dst_t)
        pltpu.async_copy(x_h.at[src_t], rows_t, sem_a).wait()
        pltpu.sync_copy(rows_t, s_sh.at[dst_t], add=True)

        plsc.subcore_barrier()
        writeback(s_out)
        plsc.subcore_barrier()

        zero_own_slice()
        plsc.subcore_barrier()
        pltpu.sync_copy(ones_h, rows_b)

        def load_dst(i, dst_v, sem):
            off = pl.multiple_of(ebase + i * K, 8)
            return pltpu.async_copy(dst_h.at[pl.ds(off, K)], dst_v, sem)

        da = load_dst(0, dst_a, sem_a)
        db = load_dst(1, dst_b, sem_b)

        def pair_deg(p, carry):
            i0 = p * 2
            da.wait()
            pltpu.sync_copy(rows_b, s_sh.at[dst_a], add=True)

            @pl.when(i0 + 2 < CHUNKS)
            def _():
                load_dst(i0 + 2, dst_a, sem_a)

            db.wait()
            pltpu.sync_copy(rows_b, s_sh.at[dst_b], add=True)

            @pl.when(i0 + 3 < CHUNKS)
            def _():
                load_dst(i0 + 3, dst_b, sem_b)

            return carry

        lax.fori_loop(0, CHUNKS // 2, pair_deg, 0)
        pltpu.sync_copy(dst_h.at[pl.ds(toff, KT)], dst_t)
        pltpu.sync_copy(ones_h.at[pl.ds(0, KT)], rows_t)
        pltpu.sync_copy(rows_t, s_sh.at[dst_t], add=True)

        plsc.subcore_barrier()
        writeback(d_out)

    return sc_agg


@functools.lru_cache(maxsize=1)
def _get_sc_agg():
    return _make_sc_agg()


BLK = 200


def _tc_body(x_ref, s0_ref, s1_ref, d0_ref, d1_ref, w_ref, b_ref, o_ref):
    xb = x_ref[...]
    agg = s0_ref[0] + s1_ref[0]
    deg = d0_ref[0][:, 0:1] + d1_ref[0][:, 0:1]
    agg = agg / jnp.maximum(deg, 1.0)
    h = (jnp.dot(xb, w_ref[:F, :], preferred_element_type=jnp.float32)
         + jnp.dot(agg, w_ref[F:, :], preferred_element_type=jnp.float32)
         + b_ref[...])
    o_ref[...] = jnp.maximum(h, 0.0)


def _tc_out(x, s_part, d_part, weight, bias):
    return pl.pallas_call(
        _tc_body,
        grid=(N // BLK,),
        in_specs=[
            pl.BlockSpec((BLK, F), lambda i: (i, 0)),
            pl.BlockSpec((1, BLK, F), lambda i: (0, i, 0)),
            pl.BlockSpec((1, BLK, F), lambda i: (1, i, 0)),
            pl.BlockSpec((1, BLK, F), lambda i: (0, i, 0)),
            pl.BlockSpec((1, BLK, F), lambda i: (1, i, 0)),
            pl.BlockSpec((2 * F, F), lambda i: (0, 0)),
            pl.BlockSpec((1, F), lambda i: (0, 0)),
        ],
        out_specs=pl.BlockSpec((BLK, F), lambda i: (i, 0)),
        out_shape=jax.ShapeDtypeStruct((N, F), jnp.float32),
    )(x, s_part, s_part, d_part, d_part, weight, bias.reshape(1, F))


def kernel(x, edge_index, weight, bias):
    dst = edge_index[0]
    src = edge_index[1]
    zrow = jnp.zeros((K, F), jnp.float32)
    ones = jnp.ones((K, F), jnp.float32)
    s_flat, d_flat = _get_sc_agg()(x, src, dst, zrow, ones)
    s_part = s_flat.reshape(NC, NP, F)
    d_part = d_flat.reshape(NC, NP, F)
    return _tc_out(x, s_part, d_part, weight, bias)

# --- scband reference (transcript-rebuilt; emitter-appended) ---
"""Pipeline reference for scband-graph-sageconv-21912923144577 (READ-ONLY COPY).

The authoritative reference and input builder live on the scoring server;
editing this copy changes nothing except your own understanding.
"""

import jax, jax.numpy as jnp
import numpy as np

N, E, F_IN, F_OUT = 10000, 320000, 128, 128


def setup_inputs(seed: int = 0) -> dict:
    key = jax.random.key(seed)
    k1, k2, k3, k4 = jax.random.split(key, 4)
    x = jax.random.normal(k1, (N, F_IN), dtype=jnp.float32)
    edge_index = jax.random.randint(k2, (2, E), 0, N, dtype=jnp.int32)
    stdv = 1.0 / np.sqrt(F_OUT)
    weight = jax.random.uniform(k3, (2 * F_IN, F_OUT), minval=-stdv, maxval=stdv, dtype=jnp.float32)
    bias = jax.random.uniform(k4, (F_OUT,), minval=-stdv, maxval=stdv, dtype=jnp.float32)
    return {"x": x, "edge_index": edge_index, "weight": weight, "bias": bias}


def reference(x, edge_index, weight, bias):
    # adj_t.matmul(x): for each edge (row=dst, col=src), agg[dst] += x[src]
    row = edge_index[0]
    col = edge_index[1]
    n = x.shape[0]
    agg = jnp.zeros_like(x).at[row].add(x[col])
    # adj_t.sum(dim=1): per-dst-row degree, clamped to min 1
    deg = jnp.zeros((n,), dtype=x.dtype).at[row].add(1.0)
    deg = jnp.clip(deg, 1.0, None)
    agg = agg / deg[:, None]
    h = jnp.concatenate([x, agg], axis=1)
    h = h @ weight + bias
    # is_last=False, use_bn=False, dropout p=0.0 (identity)
    h = jax.nn.relu(h)
    return h

if __name__ == "__main__":
    import jax
    _d = setup_inputs()
    print(jax.jit(kernel)(*tuple(_d.values())))

</pallas_src>

<mosaic_0001>
#map = affine_map<(d0, d1) -> (0, 0)>
#map1 = affine_map<(d0, d1) -> (0)>
module attributes {stable_mosaic.version = 14 : i64} {
  func.func @sc_agg(%arg0: i32, %arg1: i32, %arg2: memref<10000x128xf32, #tpu.memory_space<hbm>>, %arg3: memref<320000xi32, #tpu.memory_space<hbm>>, %arg4: memref<320000xi32, #tpu.memory_space<hbm>>, %arg5: memref<128x128xf32, #tpu.memory_space<hbm>>, %arg6: memref<128x128xf32, #tpu.memory_space<hbm>>, %arg7: memref<20480x128xf32, #tpu.memory_space<hbm>>, %arg8: memref<20480x128xf32, #tpu.memory_space<hbm>>, %arg9: memref<10240x128xf32, #tpu.memory_space<vmem_shared>>, %arg10: memref<128xi32, #tpu.memory_space<vmem>>, %arg11: memref<128xi32, #tpu.memory_space<vmem>>, %arg12: memref<128xi32, #tpu.memory_space<vmem>>, %arg13: memref<128xi32, #tpu.memory_space<vmem>>, %arg14: memref<128x128xf32, #tpu.memory_space<vmem>>, %arg15: memref<128x128xf32, #tpu.memory_space<vmem>>, %arg16: memref<16xi32, #tpu.memory_space<vmem>>, %arg17: memref<16xi32, #tpu.memory_space<vmem>>, %arg18: memref<16x128xf32, #tpu.memory_space<vmem>>, %arg19: memref<!tpu.dma_semaphore, #tpu.memory_space<semaphore_mem>>, %arg20: memref<!tpu.dma_semaphore, #tpu.memory_space<semaphore_mem>>) attributes {dimension_semantics = [#tpu.dimension_semantics<core_parallel>, #tpu.dimension_semantics<subcore_parallel>], iteration_bounds = array<i64: 2, 16>, scalar_prefetch = 0 : i64, scratch_operands = 12 : i64, tpu.core_type = #tpu.core_type<sc_vector_subcore>, window_params = [{transform_indices = #map}, {transform_indices = #map1}, {transform_indices = #map1}, {transform_indices = #map}, {transform_indices = #map}, {transform_indices = #map}, {transform_indices = #map}]} {
    %mul3A = arith.constant 640 : i32
    %mul3A_0 = arith.muli %arg1, %mul3A : i32
    %mul3A_1 = arith.constant 10240 : i32
    %mul3A_2 = arith.muli %arg0, %mul3A_1 : i32
    %add3A = arith.addi %mul3A_2, %mul3A_0 : i32
    %mul3A_3 = arith.constant 160000 : i32
    %mul3A_4 = arith.muli %arg0, %mul3A_3 : i32
    %mul3A_5 = arith.constant 10000 : i32
    %mul3A_6 = arith.muli %arg1, %mul3A_5 : i32
    %add3A_7 = arith.addi %mul3A_4, %mul3A_6 : i32
    "tpu.region"() ({
      %run_scoped3A = tpu.sem_alloc : memref<!tpu.dma_semaphore, #tpu.memory_space<semaphore_mem>>
      tpu.enqueue_dma source(%arg5 : memref<128x128xf32, #tpu.memory_space<hbm>>) target(%arg14 : memref<128x128xf32, #tpu.memory_space<vmem>>) target_semaphore(%run_scoped3A : memref<!tpu.dma_semaphore, #tpu.memory_space<semaphore_mem>>)
      tpu.wait_dma2 semaphore(%run_scoped3A : memref<!tpu.dma_semaphore, #tpu.memory_space<semaphore_mem>>) src(%arg5 : memref<128x128xf32, #tpu.memory_space<hbm>>) dst(%arg14 : memref<128x128xf32, #tpu.memory_space<vmem>>)
      tpu.yield
    }) : () -> ()
    %add3A_8 = arith.constant 0 : i32
    %add3A_9 = arith.addi %mul3A_0, %add3A_8 : i32
    "tpu.region"() ({
      %run_scoped3A = tpu.sem_alloc : memref<!tpu.dma_semaphore, #tpu.memory_space<semaphore_mem>>
      %dma_start3A_111 = arith.constant 0 : i32
      %dma_start3A_112 = tpu.memref_slice %arg9[%add3A_9, %dma_start3A_111] : memref<10240x128xf32, #tpu.memory_space<vmem_shared>> -> memref<128x128xf32, #tpu.memory_space<vmem_shared>>
      %dma_start3A_113 = arith.constant 0 : i32
      %dma_start3A_114 = tpu.memref_slice %arg9[%add3A_9, %dma_start3A_113] : memref<10240x128xf32, #tpu.memory_space<vmem_shared>> -> memref<128x128xf32, #tpu.memory_space<vmem_shared>>
      tpu.enqueue_dma source(%arg14 : memref<128x128xf32, #tpu.memory_space<vmem>>) target(%dma_start3A_114 : memref<128x128xf32, #tpu.memory_space<vmem_shared>>) target_semaphore(%run_scoped3A : memref<!tpu.dma_semaphore, #tpu.memory_space<semaphore_mem>>)
      %dma_wait3A_115 = arith.constant 0 : i32
      %dma_wait3A_116 = tpu.memref_slice %arg9[%add3A_9, %dma_wait3A_115] : memref<10240x128xf32, #tpu.memory_space<vmem_shared>> -> memref<128x128xf32, #tpu.memory_space<vmem_shared>>
      %dma_wait3A_117 = arith.constant 0 : i32
      %dma_wait3A_118 = tpu.memref_slice %arg9[%add3A_9, %dma_wait3A_117] : memref<10240x128xf32, #tpu.memory_space<vmem_shared>> -> memref<128x128xf32, #tpu.memory_space<vmem_shared>>
      tpu.wait_dma2 semaphore(%run_scoped3A : memref<!tpu.dma_semaphore, #tpu.memory_space<semaphore_mem>>) src(%arg14 : memref<128x128xf32, #tpu.memory_space<vmem>>) dst(%dma_wait3A_118 : memref<128x128xf32, #tpu.memory_space<vmem_shared>>)
      tpu.yield
    }) : () -> ()
    %add3A_10 = arith.constant 128 : i32
    %add3A_11 = arith.addi %mul3A_0, %add3A_10 : i32
    "tpu.region"() ({
      %run_scoped3A = tpu.sem_alloc : memref<!tpu.dma_semaphore, #tpu.memory_space<semaphore_mem>>
      %dma_start3A_111 = arith.constant 0 : i32
      %dma_start3A_112 = tpu.memref_slice %arg9[%add3A_11, %dma_start3A_111] : memref<10240x128xf32, #tpu.memory_space<vmem_shared>> -> memref<128x128xf32, #tpu.memory_space<vmem_shared>>
      %dma_start3A_113 = arith.constant 0 : i32
      %dma_start3A_114 = tpu.memref_slice %arg9[%add3A_11, %dma_start3A_113] : memref<10240x128xf32, #tpu.memory_space<vmem_shared>> -> memref<128x128xf32, #tpu.memory_space<vmem_shared>>
      tpu.enqueue_dma source(%arg14 : memref<128x128xf32, #tpu.memory_space<vmem>>) target(%dma_start3A_114 : memref<128x128xf32, #tpu.memory_space<vmem_shared>>) target_semaphore(%run_scoped3A : memref<!tpu.dma_semaphore, #tpu.memory_space<semaphore_mem>>)
      %dma_wait3A_115 = arith.constant 0 : i32
      %dma_wait3A_116 = tpu.memref_slice %arg9[%add3A_11, %dma_wait3A_115] : memref<10240x128xf32, #tpu.memory_space<vmem_shared>> -> memref<128x128xf32, #tpu.memory_space<vmem_shared>>
      %dma_wait3A_117 = arith.constant 0 : i32
      %dma_wait3A_118 = tpu.memref_slice %arg9[%add3A_11, %dma_wait3A_117] : memref<10240x128xf32, #tpu.memory_space<vmem_shared>> -> memref<128x128xf32, #tpu.memory_space<vmem_shared>>
      tpu.wait_dma2 semaphore(%run_scoped3A : memref<!tpu.dma_semaphore, #tpu.memory_space<semaphore_mem>>) src(%arg14 : memref<128x128xf32, #tpu.memory_space<vmem>>) dst(%dma_wait3A_118 : memref<128x128xf32, #tpu.memory_space<vmem_shared>>)
      tpu.yield
    }) : () -> ()
    %add3A_12 = arith.constant 256 : i32
    %add3A_13 = arith.addi %mul3A_0, %add3A_12 : i32
    "tpu.region"() ({
      %run_scoped3A = tpu.sem_alloc : memref<!tpu.dma_semaphore, #tpu.memory_space<semaphore_mem>>
      %dma_start3A_111 = arith.constant 0 : i32
      %dma_start3A_112 = tpu.memref_slice %arg9[%add3A_13, %dma_start3A_111] : memref<10240x128xf32, #tpu.memory_space<vmem_shared>> -> memref<128x128xf32, #tpu.memory_space<vmem_shared>>
      %dma_start3A_113 = arith.constant 0 : i32
      %dma_start3A_114 = tpu.memref_slice %arg9[%add3A_13, %dma_start3A_113] : memref<10240x128xf32, #tpu.memory_space<vmem_shared>> -> memref<128x128xf32, #tpu.memory_space<vmem_shared>>
      tpu.enqueue_dma source(%arg14 : memref<128x128xf32, #tpu.memory_space<vmem>>) target(%dma_start3A_114 : memref<128x128xf32, #tpu.memory_space<vmem_shared>>) target_semaphore(%run_scoped3A : memref<!tpu.dma_semaphore, #tpu.memory_space<semaphore_mem>>)
      %dma_wait3A_115 = arith.constant 0 : i32
      %dma_wait3A_116 = tpu.memref_slice %arg9[%add3A_13, %dma_wait3A_115] : memref<10240x128xf32, #tpu.memory_space<vmem_shared>> -> memref<128x128xf32, #tpu.memory_space<vmem_shared>>
      %dma_wait3A_117 = arith.constant 0 : i32
      %dma_wait3A_118 = tpu.memref_slice %arg9[%add3A_13, %dma_wait3A_117] : memref<10240x128xf32, #tpu.memory_space<vmem_shared>> -> memref<128x128xf32, #tpu.memory_space<vmem_shared>>
      tpu.wait_dma2 semaphore(%run_scoped3A : memref<!tpu.dma_semaphore, #tpu.memory_space<semaphore_mem>>) src(%arg14 : memref<128x128xf32, #tpu.memory_space<vmem>>) dst(%dma_wait3A_118 : memref<128x128xf32, #tpu.memory_space<vmem_shared>>)
      tpu.yield
    }) : () -> ()
    %add3A_14 = arith.constant 384 : i32
    %add3A_15 = arith.addi %mul3A_0, %add3A_14 : i32
    "tpu.region"() ({
      %run_scoped3A = tpu.sem_alloc : memref<!tpu.dma_semaphore, #tpu.memory_space<semaphore_mem>>
      %dma_start3A_111 = arith.constant 0 : i32
      %dma_start3A_112 = tpu.memref_slice %arg9[%add3A_15, %dma_start3A_111] : memref<10240x128xf32, #tpu.memory_space<vmem_shared>> -> memref<128x128xf32, #tpu.memory_space<vmem_shared>>
      %dma_start3A_113 = arith.constant 0 : i32
      %dma_start3A_114 = tpu.memref_slice %arg9[%add3A_15, %dma_start3A_113] : memref<10240x128xf32, #tpu.memory_space<vmem_shared>> -> memref<128x128xf32, #tpu.memory_space<vmem_shared>>
      tpu.enqueue_dma source(%arg14 : memref<128x128xf32, #tpu.memory_space<vmem>>) target(%dma_start3A_114 : memref<128x128xf32, #tpu.memory_space<vmem_shared>>) target_semaphore(%run_scoped3A : memref<!tpu.dma_semaphore, #tpu.memory_space<semaphore_mem>>)
      %dma_wait3A_115 = arith.constant 0 : i32
      %dma_wait3A_116 = tpu.memref_slice %arg9[%add3A_15, %dma_wait3A_115] : memref<10240x128xf32, #tpu.memory_space<vmem_shared>> -> memref<128x128xf32, #tpu.memory_space<vmem_shared>>
      %dma_wait3A_117 = arith.constant 0 : i32
      %dma_wait3A_118 = tpu.memref_slice %arg9[%add3A_15, %dma_wait3A_117] : memref<10240x128xf32, #tpu.memory_space<vmem_shared>> -> memref<128x128xf32, #tpu.memory_space<vmem_shared>>
      tpu.wait_dma2 semaphore(%run_scoped3A : memref<!tpu.dma_semaphore, #tpu.memory_space<semaphore_mem>>) src(%arg14 : memref<128x128xf32, #tpu.memory_space<vmem>>) dst(%dma_wait3A_118 : memref<128x128xf32, #tpu.memory_space<vmem_shared>>)
      tpu.yield
    }) : () -> ()
    %add3A_16 = arith.constant 512 : i32
    %add3A_17 = arith.addi %mul3A_0, %add3A_16 : i32
    "tpu.region"() ({
      %run_scoped3A = tpu.sem_alloc : memref<!tpu.dma_semaphore, #tpu.memory_space<semaphore_mem>>
      %dma_start3A_111 = arith.constant 0 : i32
      %dma_start3A_112 = tpu.memref_slice %arg9[%add3A_17, %dma_start3A_111] : memref<10240x128xf32, #tpu.memory_space<vmem_shared>> -> memref<128x128xf32, #tpu.memory_space<vmem_shared>>
      %dma_start3A_113 = arith.constant 0 : i32
      %dma_start3A_114 = tpu.memref_slice %arg9[%add3A_17, %dma_start3A_113] : memref<10240x128xf32, #tpu.memory_space<vmem_shared>> -> memref<128x128xf32, #tpu.memory_space<vmem_shared>>
      tpu.enqueue_dma source(%arg14 : memref<128x128xf32, #tpu.memory_space<vmem>>) target(%dma_start3A_114 : memref<128x128xf32, #tpu.memory_space<vmem_shared>>) target_semaphore(%run_scoped3A : memref<!tpu.dma_semaphore, #tpu.memory_space<semaphore_mem>>)
      %dma_wait3A_115 = arith.constant 0 : i32
      %dma_wait3A_116 = tpu.memref_slice %arg9[%add3A_17, %dma_wait3A_115] : memref<10240x128xf32, #tpu.memory_space<vmem_shared>> -> memref<128x128xf32, #tpu.memory_space<vmem_shared>>
      %dma_wait3A_117 = arith.constant 0 : i32
      %dma_wait3A_118 = tpu.memref_slice %arg9[%add3A_17, %dma_wait3A_117] : memref<10240x128xf32, #tpu.memory_space<vmem_shared>> -> memref<128x128xf32, #tpu.memory_space<vmem_shared>>
      tpu.wait_dma2 semaphore(%run_scoped3A : memref<!tpu.dma_semaphore, #tpu.memory_space<semaphore_mem>>) src(%arg14 : memref<128x128xf32, #tpu.memory_space<vmem>>) dst(%dma_wait3A_118 : memref<128x128xf32, #tpu.memory_space<vmem_shared>>)
      tpu.yield
    }) : () -> ()
    %barrier3A = arith.constant 0 : index
    tpu.barrier barrier_id(%barrier3A)
    %add3A_18 = arith.constant 0 : i32
    %add3A_19 = arith.addi %add3A_7, %add3A_18 : i32
    %multiple_of3A = tpu.assume_multiple %add3A_19, 8 : i32
    "tpu.region"() ({
      %run_scoped3A = tpu.sem_alloc : memref<!tpu.dma_semaphore, #tpu.memory_space<semaphore_mem>>
      %dma_start3A_111 = tpu.memref_slice %arg3[%multiple_of3A] : memref<320000xi32, #tpu.memory_space<hbm>> -> memref<128xi32, #tpu.memory_space<hbm>>
      %dma_start3A_112 = tpu.memref_slice %arg3[%multiple_of3A] : memref<320000xi32, #tpu.memory_space<hbm>> -> memref<128xi32, #tpu.memory_space<hbm>>
      tpu.enqueue_dma source(%dma_start3A_112 : memref<128xi32, #tpu.memory_space<hbm>>) target(%arg10 : memref<128xi32, #tpu.memory_space<vmem>>) target_semaphore(%run_scoped3A : memref<!tpu.dma_semaphore, #tpu.memory_space<semaphore_mem>>)
      %dma_wait3A_113 = tpu.memref_slice %arg3[%multiple_of3A] : memref<320000xi32, #tpu.memory_space<hbm>> -> memref<128xi32, #tpu.memory_space<hbm>>
      %dma_wait3A_114 = tpu.memref_slice %arg3[%multiple_of3A] : memref<320000xi32, #tpu.memory_space<hbm>> -> memref<128xi32, #tpu.memory_space<hbm>>
      tpu.wait_dma2 semaphore(%run_scoped3A : memref<!tpu.dma_semaphore, #tpu.memory_space<semaphore_mem>>) src(%dma_wait3A_114 : memref<128xi32, #tpu.memory_space<hbm>>) dst(%arg10 : memref<128xi32, #tpu.memory_space<vmem>>)
      tpu.yield
    }) : () -> ()
    "tpu.region"() ({
      %run_scoped3A = tpu.sem_alloc : memref<!tpu.dma_semaphore, #tpu.memory_space<semaphore_mem>>
      %dma_start3A_111 = tpu.memref_slice %arg4[%multiple_of3A] : memref<320000xi32, #tpu.memory_space<hbm>> -> memref<128xi32, #tpu.memory_space<hbm>>
      %dma_start3A_112 = tpu.memref_slice %arg4[%multiple_of3A] : memref<320000xi32, #tpu.memory_space<hbm>> -> memref<128xi32, #tpu.memory_space<hbm>>
      tpu.enqueue_dma source(%dma_start3A_112 : memref<128xi32, #tpu.memory_space<hbm>>) target(%arg11 : memref<128xi32, #tpu.memory_space<vmem>>) target_semaphore(%run_scoped3A : memref<!tpu.dma_semaphore, #tpu.memory_space<semaphore_mem>>)
      %dma_wait3A_113 = tpu.memref_slice %arg4[%multiple_of3A] : memref<320000xi32, #tpu.memory_space<hbm>> -> memref<128xi32, #tpu.memory_space<hbm>>
      %dma_wait3A_114 = tpu.memref_slice %arg4[%multiple_of3A] : memref<320000xi32, #tpu.memory_space<hbm>> -> memref<128xi32, #tpu.memory_space<hbm>>
      tpu.wait_dma2 semaphore(%run_scoped3A : memref<!tpu.dma_semaphore, #tpu.memory_space<semaphore_mem>>) src(%dma_wait3A_114 : memref<128xi32, #tpu.memory_space<hbm>>) dst(%arg11 : memref<128xi32, #tpu.memory_space<vmem>>)
      tpu.yield
    }) : () -> ()
    %dma_start3A = arith.constant 0 : i32
    %dma_start3A_20 = arith.constant 0 : i32
    %dma_start3A_21 = tpu.memref_slice %arg2[%dma_start3A, %dma_start3A_20] : memref<10000x128xf32, #tpu.memory_space<hbm>> -> memref<10000x128xf32, #tpu.memory_space<hbm>>
    tpu.enqueue_indirect_dma source(%dma_start3A_21 : memref<10000x128xf32, #tpu.memory_space<hbm>>) target(%arg14 : memref<128x128xf32, #tpu.memory_space<vmem>>) offsets(%arg10 : memref<128xi32, #tpu.memory_space<vmem>>) semaphore(%arg19 : memref<!tpu.dma_semaphore, #tpu.memory_space<semaphore_mem>>)
    %add3A_22 = arith.constant 128 : i32
    %add3A_23 = arith.addi %add3A_7, %add3A_22 : i32
    %multiple_of3A_24 = tpu.assume_multiple %add3A_23, 8 : i32
    "tpu.region"() ({
      %run_scoped3A = tpu.sem_alloc : memref<!tpu.dma_semaphore, #tpu.memory_space<semaphore_mem>>
      %dma_start3A_111 = tpu.memref_slice %arg3[%multiple_of3A_24] : memref<320000xi32, #tpu.memory_space<hbm>> -> memref<128xi32, #tpu.memory_space<hbm>>
      %dma_start3A_112 = tpu.memref_slice %arg3[%multiple_of3A_24] : memref<320000xi32, #tpu.memory_space<hbm>> -> memref<128xi32, #tpu.memory_space<hbm>>
      tpu.enqueue_dma source(%dma_start3A_112 : memref<128xi32, #tpu.memory_space<hbm>>) target(%arg12 : memref<128xi32, #tpu.memory_space<vmem>>) target_semaphore(%run_scoped3A : memref<!tpu.dma_semaphore, #tpu.memory_space<semaphore_mem>>)
      %dma_wait3A_113 = tpu.memref_slice %arg3[%multiple_of3A_24] : memref<320000xi32, #tpu.memory_space<hbm>> -> memref<128xi32, #tpu.memory_space<hbm>>
      %dma_wait3A_114 = tpu.memref_slice %arg3[%multiple_of3A_24] : memref<320000xi32, #tpu.memory_space<hbm>> -> memref<128xi32, #tpu.memory_space<hbm>>
      tpu.wait_dma2 semaphore(%run_scoped3A : memref<!tpu.dma_semaphore, #tpu.memory_space<semaphore_mem>>) src(%dma_wait3A_114 : memref<128xi32, #tpu.memory_space<hbm>>) dst(%arg12 : memref<128xi32, #tpu.memory_space<vmem>>)
      tpu.yield
    }) : () -> ()
    "tpu.region"() ({
      %run_scoped3A = tpu.sem_alloc : memref<!tpu.dma_semaphore, #tpu.memory_space<semaphore_mem>>
      %dma_start3A_111 = tpu.memref_slice %arg4[%multiple_of3A_24] : memref<320000xi32, #tpu.memory_space<hbm>> -> memref<128xi32, #tpu.memory_space<hbm>>
      %dma_start3A_112 = tpu.memref_slice %arg4[%multiple_of3A_24] : memref<320000xi32, #tpu.memory_space<hbm>> -> memref<128xi32, #tpu.memory_space<hbm>>
      tpu.enqueue_dma source(%dma_start3A_112 : memref<128xi32, #tpu.memory_space<hbm>>) target(%arg13 : memref<128xi32, #tpu.memory_space<vmem>>) target_semaphore(%run_scoped3A : memref<!tpu.dma_semaphore, #tpu.memory_space<semaphore_mem>>)
      %dma_wait3A_113 = tpu.memref_slice %arg4[%multiple_of3A_24] : memref<320000xi32, #tpu.memory_space<hbm>> -> memref<128xi32, #tpu.memory_space<hbm>>
      %dma_wait3A_114 = tpu.memref_slice %arg4[%multiple_of3A_24] : memref<320000xi32, #tpu.memory_space<hbm>> -> memref<128xi32, #tpu.memory_space<hbm>>
      tpu.wait_dma2 semaphore(%run_scoped3A : memref<!tpu.dma_semaphore, #tpu.memory_space<semaphore_mem>>) src(%dma_wait3A_114 : memref<128xi32, #tpu.memory_space<hbm>>) dst(%arg13 : memref<128xi32, #tpu.memory_space<vmem>>)
      tpu.yield
    }) : () -> ()
    %dma_start3A_25 = arith.constant 0 : i32
    %dma_start3A_26 = arith.constant 0 : i32
    %dma_start3A_27 = tpu.memref_slice %arg2[%dma_start3A_25, %dma_start3A_26] : memref<10000x128xf32, #tpu.memory_space<hbm>> -> memref<10000x128xf32, #tpu.memory_space<hbm>>
    tpu.enqueue_indirect_dma source(%dma_start3A_27 : memref<10000x128xf32, #tpu.memory_space<hbm>>) target(%arg15 : memref<128x128xf32, #tpu.memory_space<vmem>>) offsets(%arg12 : memref<128xi32, #tpu.memory_space<vmem>>) semaphore(%arg20 : memref<!tpu.dma_semaphore, #tpu.memory_space<semaphore_mem>>)
    %scan3A = arith.constant 0 : i32
    %scan3A_28 = arith.constant 0 : i32
    %scan3A_29 = arith.constant 39 : i32
    %scan3A_30 = arith.addi %scan3A_28, %scan3A_29 : i32
    %scan3A_31 = arith.constant 1 : i32
    scf.for %scan3A_111 = %scan3A_28 to %scan3A_30 step %scan3A_31  : i32 {
      %mul3A_112 = arith.constant 2 : i32
      %mul3A_113 = arith.muli %scan3A_111, %mul3A_112 : i32
      %dma_wait3A_114 = arith.constant 0 : i32
      %dma_wait3A_115 = arith.constant 0 : i32
      %dma_wait3A_116 = tpu.memref_slice %arg2[%dma_wait3A_114, %dma_wait3A_115] : memref<10000x128xf32, #tpu.memory_space<hbm>> -> memref<10000x128xf32, #tpu.memory_space<hbm>>
      tpu.wait_indirect_dma semaphore(%arg19 : memref<!tpu.dma_semaphore, #tpu.memory_space<semaphore_mem>>) src(%dma_wait3A_116 : memref<10000x128xf32, #tpu.memory_space<hbm>>) dst(%arg14 : memref<128x128xf32, #tpu.memory_space<vmem>>)
      "tpu.region"() ({
        %run_scoped3A = tpu.sem_alloc : memref<!tpu.dma_semaphore, #tpu.memory_space<semaphore_mem>>
        %dma_start3A_131 = arith.constant 0 : i32
        %dma_start3A_132 = arith.constant 0 : i32
        %dma_start3A_133 = tpu.memref_slice %arg9[%dma_start3A_131, %dma_start3A_132] : memref<10240x128xf32, #tpu.memory_space<vmem_shared>> -> memref<10240x128xf32, #tpu.memory_space<vmem_shared>>
        tpu.enqueue_indirect_dma source(%arg14 : memref<128x128xf32, #tpu.memory_space<vmem>>) target(%dma_start3A_133 : memref<10240x128xf32, #tpu.memory_space<vmem_shared>>) offsets(%arg11 : memref<128xi32, #tpu.memory_space<vmem>>) semaphore(%run_scoped3A : memref<!tpu.dma_semaphore, #tpu.memory_space<semaphore_mem>>) {add = true}
        %dma_wait3A_134 = arith.constant 0 : i32
        %dma_wait3A_135 = arith.constant 0 : i32
        %dma_wait3A_136 = tpu.memref_slice %arg9[%dma_wait3A_134, %dma_wait3A_135] : memref<10240x128xf32, #tpu.memory_space<vmem_shared>> -> memref<10240x128xf32, #tpu.memory_space<vmem_shared>>
        tpu.wait_indirect_dma semaphore(%run_scoped3A : memref<!tpu.dma_semaphore, #tpu.memory_space<semaphore_mem>>) src(%arg14 : memref<128x128xf32, #tpu.memory_space<vmem>>) dst(%dma_wait3A_136 : memref<10240x128xf32, #tpu.memory_space<vmem_shared>>)
        tpu.yield
      }) : () -> ()
      %add3A_117 = arith.constant 2 : i32
      %add3A_118 = arith.addi %mul3A_113, %add3A_117 : i32
      %lt3A = arith.constant 78 : i32
      %lt3A_119 = arith.cmpi slt, %add3A_118, %lt3A : i32
      %convert_element_type3A = arith.extui %lt3A_119 : i1 to i32
      %cond3A = arith.constant 0 : i32
      %cond3A_120 = arith.cmpi ne, %convert_element_type3A, %cond3A : i32
      scf.if %cond3A_120 {
        %add3A_131 = arith.constant 2 : i32
        %add3A_132 = arith.addi %mul3A_113, %add3A_131 : i32
        %mul3A_133 = arith.constant 128 : i32
        %mul3A_134 = arith.muli %add3A_132, %mul3A_133 : i32
        %add3A_135 = arith.addi %add3A_7, %mul3A_134 : i32
        %multiple_of3A_136 = tpu.assume_multiple %add3A_135, 8 : i32
        "tpu.region"() ({
          %run_scoped3A = tpu.sem_alloc : memref<!tpu.dma_semaphore, #tpu.memory_space<semaphore_mem>>
          %dma_start3A_140 = tpu.memref_slice %arg3[%multiple_of3A_136] : memref<320000xi32, #tpu.memory_space<hbm>> -> memref<128xi32, #tpu.memory_space<hbm>>
          %dma_start3A_141 = tpu.memref_slice %arg3[%multiple_of3A_136] : memref<320000xi32, #tpu.memory_space<hbm>> -> memref<128xi32, #tpu.memory_space<hbm>>
          tpu.enqueue_dma source(%dma_start3A_141 : memref<128xi32, #tpu.memory_space<hbm>>) target(%arg10 : memref<128xi32, #tpu.memory_space<vmem>>) target_semaphore(%run_scoped3A : memref<!tpu.dma_semaphore, #tpu.memory_space<semaphore_mem>>)
          %dma_wait3A_142 = tpu.memref_slice %arg3[%multiple_of3A_136] : memref<320000xi32, #tpu.memory_space<hbm>> -> memref<128xi32, #tpu.memory_space<hbm>>
          %dma_wait3A_143 = tpu.memref_slice %arg3[%multiple_of3A_136] : memref<320000xi32, #tpu.memory_space<hbm>> -> memref<128xi32, #tpu.memory_space<hbm>>
          tpu.wait_dma2 semaphore(%run_scoped3A : memref<!tpu.dma_semaphore, #tpu.memory_space<semaphore_mem>>) src(%dma_wait3A_143 : memref<128xi32, #tpu.memory_space<hbm>>) dst(%arg10 : memref<128xi32, #tpu.memory_space<vmem>>)
          tpu.yield
        }) : () -> ()
        "tpu.region"() ({
          %run_scoped3A = tpu.sem_alloc : memref<!tpu.dma_semaphore, #tpu.memory_space<semaphore_mem>>
          %dma_start3A_140 = tpu.memref_slice %arg4[%multiple_of3A_136] : memref<320000xi32, #tpu.memory_space<hbm>> -> memref<128xi32, #tpu.memory_space<hbm>>
          %dma_start3A_141 = tpu.memref_slice %arg4[%multiple_of3A_136] : memref<320000xi32, #tpu.memory_space<hbm>> -> memref<128xi32, #tpu.memory_space<hbm>>
          tpu.enqueue_dma source(%dma_start3A_141 : memref<128xi32, #tpu.memory_space<hbm>>) target(%arg11 : memref<128xi32, #tpu.memory_space<vmem>>) target_semaphore(%run_scoped3A : memref<!tpu.dma_semaphore, #tpu.memory_space<semaphore_mem>>)
          %dma_wait3A_142 = tpu.memref_slice %arg4[%multiple_of3A_136] : memref<320000xi32, #tpu.memory_space<hbm>> -> memref<128xi32, #tpu.memory_space<hbm>>
          %dma_wait3A_143 = tpu.memref_slice %arg4[%multiple_of3A_136] : memref<320000xi32, #tpu.memory_space<hbm>> -> memref<128xi32, #tpu.memory_space<hbm>>
          tpu.wait_dma2 semaphore(%run_scoped3A : memref<!tpu.dma_semaphore, #tpu.memory_space<semaphore_mem>>) src(%dma_wait3A_143 : memref<128xi32, #tpu.memory_space<hbm>>) dst(%arg11 : memref<128xi32, #tpu.memory_space<vmem>>)
          tpu.yield
        }) : () -> ()
        %dma_start3A_137 = arith.constant 0 : i32
        %dma_start3A_138 = arith.constant 0 : i32
        %dma_start3A_139 = tpu.memref_slice %arg2[%dma_start3A_137, %dma_start3A_138] : memref<10000x128xf32, #tpu.memory_space<hbm>> -> memref<10000x128xf32, #tpu.memory_space<hbm>>
        tpu.enqueue_indirect_dma source(%dma_start3A_139 : memref<10000x128xf32, #tpu.memory_space<hbm>>) target(%arg14 : memref<128x128xf32, #tpu.memory_space<vmem>>) offsets(%arg10 : memref<128xi32, #tpu.memory_space<vmem>>) semaphore(%arg19 : memref<!tpu.dma_semaphore, #tpu.memory_space<semaphore_mem>>)
      } else {
      }
      %dma_wait3A_121 = arith.constant 0 : i32
      %dma_wait3A_122 = arith.constant 0 : i32
      %dma_wait3A_123 = tpu.memref_slice %arg2[%dma_wait3A_121, %dma_wait3A_122] : memref<10000x128xf32, #tpu.memory_space<hbm>> -> memref<10000x128xf32, #tpu.memory_space<hbm>>
      tpu.wait_indirect_dma semaphore(%arg20 : memref<!tpu.dma_semaphore, #tpu.memory_space<semaphore_mem>>) src(%dma_wait3A_123 : memref<10000x128xf32, #tpu.memory_space<hbm>>) dst(%arg15 : memref<128x128xf32, #tpu.memory_space<vmem>>)
      "tpu.region"() ({
        %run_scoped3A = tpu.sem_alloc : memref<!tpu.dma_semaphore, #tpu.memory_space<semaphore_mem>>
        %dma_start3A_131 = arith.constant 0 : i32
        %dma_start3A_132 = arith.constant 0 : i32
        %dma_start3A_133 = tpu.memref_slice %arg9[%dma_start3A_131, %dma_start3A_132] : memref<10240x128xf32, #tpu.memory_space<vmem_shared>> -> memref<10240x128xf32, #tpu.memory_space<vmem_shared>>
        tpu.enqueue_indirect_dma source(%arg15 : memref<128x128xf32, #tpu.memory_space<vmem>>) target(%dma_start3A_133 : memref<10240x128xf32, #tpu.memory_space<vmem_shared>>) offsets(%arg13 : memref<128xi32, #tpu.memory_space<vmem>>) semaphore(%run_scoped3A : memref<!tpu.dma_semaphore, #tpu.memory_space<semaphore_mem>>) {add = true}
        %dma_wait3A_134 = arith.constant 0 : i32
        %dma_wait3A_135 = arith.constant 0 : i32
        %dma_wait3A_136 = tpu.memref_slice %arg9[%dma_wait3A_134, %dma_wait3A_135] : memref<10240x128xf32, #tpu.memory_space<vmem_shared>> -> memref<10240x128xf32, #tpu.memory_space<vmem_shared>>
        tpu.wait_indirect_dma semaphore(%run_scoped3A : memref<!tpu.dma_semaphore, #tpu.memory_space<semaphore_mem>>) src(%arg15 : memref<128x128xf32, #tpu.memory_space<vmem>>) dst(%dma_wait3A_136 : memref<10240x128xf32, #tpu.memory_space<vmem_shared>>)
        tpu.yield
      }) : () -> ()
      %add3A_124 = arith.constant 3 : i32
      %add3A_125 = arith.addi %mul3A_113, %add3A_124 : i32
      %lt3A_126 = arith.constant 78 : i32
      %lt3A_127 = arith.cmpi slt, %add3A_125, %lt3A_126 : i32
      %convert_element_type3A_128 = arith.extui %lt3A_127 : i1 to i32
      %cond3A_129 = arith.constant 0 : i32
      %cond3A_130 = arith.cmpi ne, %convert_element_type3A_128, %cond3A_129 : i32
      scf.if %cond3A_130 {
        %add3A_131 = arith.constant 3 : i32
        %add3A_132 = arith.addi %mul3A_113, %add3A_131 : i32
        %mul3A_133 = arith.constant 128 : i32
        %mul3A_134 = arith.muli %add3A_132, %mul3A_133 : i32
        %add3A_135 = arith.addi %add3A_7, %mul3A_134 : i32
        %multiple_of3A_136 = tpu.assume_multiple %add3A_135, 8 : i32
        "tpu.region"() ({
          %run_scoped3A = tpu.sem_alloc : memref<!tpu.dma_semaphore, #tpu.memory_space<semaphore_mem>>
          %dma_start3A_140 = tpu.memref_slice %arg3[%multiple_of3A_136] : memref<320000xi32, #tpu.memory_space<hbm>> -> memref<128xi32, #tpu.memory_space<hbm>>
          %dma_start3A_141 = tpu.memref_slice %arg3[%multiple_of3A_136] : memref<320000xi32, #tpu.memory_space<hbm>> -> memref<128xi32, #tpu.memory_space<hbm>>
          tpu.enqueue_dma source(%dma_start3A_141 : memref<128xi32, #tpu.memory_space<hbm>>) target(%arg12 : memref<128xi32, #tpu.memory_space<vmem>>) target_semaphore(%run_scoped3A : memref<!tpu.dma_semaphore, #tpu.memory_space<semaphore_mem>>)
          %dma_wait3A_142 = tpu.memref_slice %arg3[%multiple_of3A_136] : memref<320000xi32, #tpu.memory_space<hbm>> -> memref<128xi32, #tpu.memory_space<hbm>>
          %dma_wait3A_143 = tpu.memref_slice %arg3[%multiple_of3A_136] : memref<320000xi32, #tpu.memory_space<hbm>> -> memref<128xi32, #tpu.memory_space<hbm>>
          tpu.wait_dma2 semaphore(%run_scoped3A : memref<!tpu.dma_semaphore, #tpu.memory_space<semaphore_mem>>) src(%dma_wait3A_143 : memref<128xi32, #tpu.memory_space<hbm>>) dst(%arg12 : memref<128xi32, #tpu.memory_space<vmem>>)
          tpu.yield
        }) : () -> ()
        "tpu.region"() ({
          %run_scoped3A = tpu.sem_alloc : memref<!tpu.dma_semaphore, #tpu.memory_space<semaphore_mem>>
          %dma_start3A_140 = tpu.memref_slice %arg4[%multiple_of3A_136] : memref<320000xi32, #tpu.memory_space<hbm>> -> memref<128xi32, #tpu.memory_space<hbm>>
          %dma_start3A_141 = tpu.memref_slice %arg4[%multiple_of3A_136] : memref<320000xi32, #tpu.memory_space<hbm>> -> memref<128xi32, #tpu.memory_space<hbm>>
          tpu.enqueue_dma source(%dma_start3A_141 : memref<128xi32, #tpu.memory_space<hbm>>) target(%arg13 : memref<128xi32, #tpu.memory_space<vmem>>) target_semaphore(%run_scoped3A : memref<!tpu.dma_semaphore, #tpu.memory_space<semaphore_mem>>)
          %dma_wait3A_142 = tpu.memref_slice %arg4[%multiple_of3A_136] : memref<320000xi32, #tpu.memory_space<hbm>> -> memref<128xi32, #tpu.memory_space<hbm>>
          %dma_wait3A_143 = tpu.memref_slice %arg4[%multiple_of3A_136] : memref<320000xi32, #tpu.memory_space<hbm>> -> memref<128xi32, #tpu.memory_space<hbm>>
          tpu.wait_dma2 semaphore(%run_scoped3A : memref<!tpu.dma_semaphore, #tpu.memory_space<semaphore_mem>>) src(%dma_wait3A_143 : memref<128xi32, #tpu.memory_space<hbm>>) dst(%arg13 : memref<128xi32, #tpu.memory_space<vmem>>)
          tpu.yield
        }) : () -> ()
        %dma_start3A_137 = arith.constant 0 : i32
        %dma_start3A_138 = arith.constant 0 : i32
        %dma_start3A_139 = tpu.memref_slice %arg2[%dma_start3A_137, %dma_start3A_138] : memref<10000x128xf32, #tpu.memory_space<hbm>> -> memref<10000x128xf32, #tpu.memory_space<hbm>>
        tpu.enqueue_indirect_dma source(%dma_start3A_139 : memref<10000x128xf32, #tpu.memory_space<hbm>>) target(%arg15 : memref<128x128xf32, #tpu.memory_space<vmem>>) offsets(%arg12 : memref<128xi32, #tpu.memory_space<vmem>>) semaphore(%arg20 : memref<!tpu.dma_semaphore, #tpu.memory_space<semaphore_mem>>)
      } else {
      }
    }
    %scan3A_32 = arith.constant 39 : i32
    %add3A_33 = arith.constant 9984 : i32
    %add3A_34 = arith.addi %add3A_7, %add3A_33 : i32
    %multiple_of3A_35 = tpu.assume_multiple %add3A_34, 8 : i32
    "tpu.region"() ({
      %run_scoped3A = tpu.sem_alloc : memref<!tpu.dma_semaphore, #tpu.memory_space<semaphore_mem>>
      %dma_start3A_111 = tpu.memref_slice %arg3[%multiple_of3A_35] : memref<320000xi32, #tpu.memory_space<hbm>> -> memref<16xi32, #tpu.memory_space<hbm>>
      %dma_start3A_112 = tpu.memref_slice %arg3[%multiple_of3A_35] : memref<320000xi32, #tpu.memory_space<hbm>> -> memref<16xi32, #tpu.memory_space<hbm>>
      tpu.enqueue_dma source(%dma_start3A_112 : memref<16xi32, #tpu.memory_space<hbm>>) target(%arg16 : memref<16xi32, #tpu.memory_space<vmem>>) target_semaphore(%run_scoped3A : memref<!tpu.dma_semaphore, #tpu.memory_space<semaphore_mem>>)
      %dma_wait3A_113 = tpu.memref_slice %arg3[%multiple_of3A_35] : memref<320000xi32, #tpu.memory_space<hbm>> -> memref<16xi32, #tpu.memory_space<hbm>>
      %dma_wait3A_114 = tpu.memref_slice %arg3[%multiple_of3A_35] : memref<320000xi32, #tpu.memory_space<hbm>> -> memref<16xi32, #tpu.memory_space<hbm>>
      tpu.wait_dma2 semaphore(%run_scoped3A : memref<!tpu.dma_semaphore, #tpu.memory_space<semaphore_mem>>) src(%dma_wait3A_114 : memref<16xi32, #tpu.memory_space<hbm>>) dst(%arg16 : memref<16xi32, #tpu.memory_space<vmem>>)
      tpu.yield
    }) : () -> ()
    "tpu.region"() ({
      %run_scoped3A = tpu.sem_alloc : memref<!tpu.dma_semaphore, #tpu.memory_space<semaphore_mem>>
      %dma_start3A_111 = tpu.memref_slice %arg4[%multiple_of3A_35] : memref<320000xi32, #tpu.memory_space<hbm>> -> memref<16xi32, #tpu.memory_space<hbm>>
      %dma_start3A_112 = tpu.memref_slice %arg4[%multiple_of3A_35] : memref<320000xi32, #tpu.memory_space<hbm>> -> memref<16xi32, #tpu.memory_space<hbm>>
      tpu.enqueue_dma source(%dma_start3A_112 : memref<16xi32, #tpu.memory_space<hbm>>) target(%arg17 : memref<16xi32, #tpu.memory_space<vmem>>) target_semaphore(%run_scoped3A : memref<!tpu.dma_semaphore, #tpu.memory_space<semaphore_mem>>)
      %dma_wait3A_113 = tpu.memref_slice %arg4[%multiple_of3A_35] : memref<320000xi32, #tpu.memory_space<hbm>> -> memref<16xi32, #tpu.memory_space<hbm>>
      %dma_wait3A_114 = tpu.memref_slice %arg4[%multiple_of3A_35] : memref<320000xi32, #tpu.memory_space<hbm>> -> memref<16xi32, #tpu.memory_space<hbm>>
      tpu.wait_dma2 semaphore(%run_scoped3A : memref<!tpu.dma_semaphore, #tpu.memory_space<semaphore_mem>>) src(%dma_wait3A_114 : memref<16xi32, #tpu.memory_space<hbm>>) dst(%arg17 : memref<16xi32, #tpu.memory_space<vmem>>)
      tpu.yield
    }) : () -> ()
    %dma_start3A_36 = arith.constant 0 : i32
    %dma_start3A_37 = arith.constant 0 : i32
    %dma_start3A_38 = tpu.memref_slice %arg2[%dma_start3A_36, %dma_start3A_37] : memref<10000x128xf32, #tpu.memory_space<hbm>> -> memref<10000x128xf32, #tpu.memory_space<hbm>>
    tpu.enqueue_indirect_dma source(%dma_start3A_38 : memref<10000x128xf32, #tpu.memory_space<hbm>>) target(%arg18 : memref<16x128xf32, #tpu.memory_space<vmem>>) offsets(%arg16 : memref<16xi32, #tpu.memory_space<vmem>>) semaphore(%arg19 : memref<!tpu.dma_semaphore, #tpu.memory_space<semaphore_mem>>)
    %dma_wait3A = arith.constant 0 : i32
    %dma_wait3A_39 = arith.constant 0 : i32
    %dma_wait3A_40 = tpu.memref_slice %arg2[%dma_wait3A, %dma_wait3A_39] : memref<10000x128xf32, #tpu.memory_space<hbm>> -> memref<10000x128xf32, #tpu.memory_space<hbm>>
    tpu.wait_indirect_dma semaphore(%arg19 : memref<!tpu.dma_semaphore, #tpu.memory_space<semaphore_mem>>) src(%dma_wait3A_40 : memref<10000x128xf32, #tpu.memory_space<hbm>>) dst(%arg18 : memref<16x128xf32, #tpu.memory_space<vmem>>)
    "tpu.region"() ({
      %run_scoped3A = tpu.sem_alloc : memref<!tpu.dma_semaphore, #tpu.memory_space<semaphore_mem>>
      %dma_start3A_111 = arith.constant 0 : i32
      %dma_start3A_112 = arith.constant 0 : i32
      %dma_start3A_113 = tpu.memref_slice %arg9[%dma_start3A_111, %dma_start3A_112] : memref<10240x128xf32, #tpu.memory_space<vmem_shared>> -> memref<10240x128xf32, #tpu.memory_space<vmem_shared>>
      tpu.enqueue_indirect_dma source(%arg18 : memref<16x128xf32, #tpu.memory_space<vmem>>) target(%dma_start3A_113 : memref<10240x128xf32, #tpu.memory_space<vmem_shared>>) offsets(%arg17 : memref<16xi32, #tpu.memory_space<vmem>>) semaphore(%run_scoped3A : memref<!tpu.dma_semaphore, #tpu.memory_space<semaphore_mem>>) {add = true}
      %dma_wait3A_114 = arith.constant 0 : i32
      %dma_wait3A_115 = arith.constant 0 : i32
      %dma_wait3A_116 = tpu.memref_slice %arg9[%dma_wait3A_114, %dma_wait3A_115] : memref<10240x128xf32, #tpu.memory_space<vmem_shared>> -> memref<10240x128xf32, #tpu.memory_space<vmem_shared>>
      tpu.wait_indirect_dma semaphore(%run_scoped3A : memref<!tpu.dma_semaphore, #tpu.memory_space<semaphore_mem>>) src(%arg18 : memref<16x128xf32, #tpu.memory_space<vmem>>) dst(%dma_wait3A_116 : memref<10240x128xf32, #tpu.memory_space<vmem_shared>>)
      tpu.yield
    }) : () -> ()
    %barrier3A_41 = arith.constant 0 : index
    tpu.barrier barrier_id(%barrier3A_41)
    %add3A_42 = arith.constant 0 : i32
    %add3A_43 = arith.addi %mul3A_0, %add3A_42 : i32
    "tpu.region"() ({
      %run_scoped3A = tpu.sem_alloc : memref<!tpu.dma_semaphore, #tpu.memory_space<semaphore_mem>>
      %dma_start3A_111 = arith.constant 0 : i32
      %dma_start3A_112 = tpu.memref_slice %arg9[%add3A_43, %dma_start3A_111] : memref<10240x128xf32, #tpu.memory_space<vmem_shared>> -> memref<128x128xf32, #tpu.memory_space<vmem_shared>>
      %dma_start3A_113 = arith.constant 0 : i32
      %dma_start3A_114 = tpu.memref_slice %arg9[%add3A_43, %dma_start3A_113] : memref<10240x128xf32, #tpu.memory_space<vmem_shared>> -> memref<128x128xf32, #tpu.memory_space<vmem_shared>>
      tpu.enqueue_dma source(%dma_start3A_114 : memref<128x128xf32, #tpu.memory_space<vmem_shared>>) target(%arg14 : memref<128x128xf32, #tpu.memory_space<vmem>>) target_semaphore(%run_scoped3A : memref<!tpu.dma_semaphore, #tpu.memory_space<semaphore_mem>>)
      %dma_wait3A_115 = arith.constant 0 : i32
      %dma_wait3A_116 = tpu.memref_slice %arg9[%add3A_43, %dma_wait3A_115] : memref<10240x128xf32, #tpu.memory_space<vmem_shared>> -> memref<128x128xf32, #tpu.memory_space<vmem_shared>>
      %dma_wait3A_117 = arith.constant 0 : i32
      %dma_wait3A_118 = tpu.memref_slice %arg9[%add3A_43, %dma_wait3A_117] : memref<10240x128xf32, #tpu.memory_space<vmem_shared>> -> memref<128x128xf32, #tpu.memory_space<vmem_shared>>
      tpu.wait_dma2 semaphore(%run_scoped3A : memref<!tpu.dma_semaphore, #tpu.memory_space<semaphore_mem>>) src(%dma_wait3A_118 : memref<128x128xf32, #tpu.memory_space<vmem_shared>>) dst(%arg14 : memref<128x128xf32, #tpu.memory_space<vmem>>)
      tpu.yield
    }) : () -> ()
    %add3A_44 = arith.constant 0 : i32
    %add3A_45 = arith.addi %add3A, %add3A_44 : i32
    "tpu.region"() ({
      %run_scoped3A = tpu.sem_alloc : memref<!tpu.dma_semaphore, #tpu.memory_space<semaphore_mem>>
      %dma_start3A_111 = arith.constant 0 : i32
      %dma_start3A_112 = tpu.memref_slice %arg7[%add3A_45, %dma_start3A_111] : memref<20480x128xf32, #tpu.memory_space<hbm>> -> memref<128x128xf32, #tpu.memory_space<hbm>>
      %dma_start3A_113 = arith.constant 0 : i32
      %dma_start3A_114 = tpu.memref_slice %arg7[%add3A_45, %dma_start3A_113] : memref<20480x128xf32, #tpu.memory_space<hbm>> -> memref<128x128xf32, #tpu.memory_space<hbm>>
      tpu.enqueue_dma source(%arg14 : memref<128x128xf32, #tpu.memory_space<vmem>>) target(%dma_start3A_114 : memref<128x128xf32, #tpu.memory_space<hbm>>) target_semaphore(%run_scoped3A : memref<!tpu.dma_semaphore, #tpu.memory_space<semaphore_mem>>)
      %dma_wait3A_115 = arith.constant 0 : i32
      %dma_wait3A_116 = tpu.memref_slice %arg7[%add3A_45, %dma_wait3A_115] : memref<20480x128xf32, #tpu.memory_space<hbm>> -> memref<128x128xf32, #tpu.memory_space<hbm>>
      %dma_wait3A_117 = arith.constant 0 : i32
      %dma_wait3A_118 = tpu.memref_slice %arg7[%add3A_45, %dma_wait3A_117] : memref<20480x128xf32, #tpu.memory_space<hbm>> -> memref<128x128xf32, #tpu.memory_space<hbm>>
      tpu.wait_dma2 semaphore(%run_scoped3A : memref<!tpu.dma_semaphore, #tpu.memory_space<semaphore_mem>>) src(%arg14 : memref<128x128xf32, #tpu.memory_space<vmem>>) dst(%dma_wait3A_118 : memref<128x128xf32, #tpu.memory_space<hbm>>)
      tpu.yield
    }) : () -> ()
    %add3A_46 = arith.constant 128 : i32
    %add3A_47 = arith.addi %mul3A_0, %add3A_46 : i32
    "tpu.region"() ({
      %run_scoped3A = tpu.sem_alloc : memref<!tpu.dma_semaphore, #tpu.memory_space<semaphore_mem>>
      %dma_start3A_111 = arith.constant 0 : i32
      %dma_start3A_112 = tpu.memref_slice %arg9[%add3A_47, %dma_start3A_111] : memref<10240x128xf32, #tpu.memory_space<vmem_shared>> -> memref<128x128xf32, #tpu.memory_space<vmem_shared>>
      %dma_start3A_113 = arith.constant 0 : i32
      %dma_start3A_114 = tpu.memref_slice %arg9[%add3A_47, %dma_start3A_113] : memref<10240x128xf32, #tpu.memory_space<vmem_shared>> -> memref<128x128xf32, #tpu.memory_space<vmem_shared>>
      tpu.enqueue_dma source(%dma_start3A_114 : memref<128x128xf32, #tpu.memory_space<vmem_shared>>) target(%arg14 : memref<128x128xf32, #tpu.memory_space<vmem>>) target_semaphore(%run_scoped3A : memref<!tpu.dma_semaphore, #tpu.memory_space<semaphore_mem>>)
      %dma_wait3A_115 = arith.constant 0 : i32
      %dma_wait3A_116 = tpu.memref_slice %arg9[%add3A_47, %dma_wait3A_115] : memref<10240x128xf32, #tpu.memory_space<vmem_shared>> -> memref<128x128xf32, #tpu.memory_space<vmem_shared>>
      %dma_wait3A_117 = arith.constant 0 : i32
      %dma_wait3A_118 = tpu.memref_slice %arg9[%add3A_47, %dma_wait3A_117] : memref<10240x128xf32, #tpu.memory_space<vmem_shared>> -> memref<128x128xf32, #tpu.memory_space<vmem_shared>>
      tpu.wait_dma2 semaphore(%run_scoped3A : memref<!tpu.dma_semaphore, #tpu.memory_space<semaphore_mem>>) src(%dma_wait3A_118 : memref<128x128xf32, #tpu.memory_space<vmem_shared>>) dst(%arg14 : memref<128x128xf32, #tpu.memory_space<vmem>>)
      tpu.yield
    }) : () -> ()
    %add3A_48 = arith.constant 128 : i32
    %add3A_49 = arith.addi %add3A, %add3A_48 : i32
    "tpu.region"() ({
      %run_scoped3A = tpu.sem_alloc : memref<!tpu.dma_semaphore, #tpu.memory_space<semaphore_mem>>
      %dma_start3A_111 = arith.constant 0 : i32
      %dma_start3A_112 = tpu.memref_slice %arg7[%add3A_49, %dma_start3A_111] : memref<20480x128xf32, #tpu.memory_space<hbm>> -> memref<128x128xf32, #tpu.memory_space<hbm>>
      %dma_start3A_113 = arith.constant 0 : i32
      %dma_start3A_114 = tpu.memref_slice %arg7[%add3A_49, %dma_start3A_113] : memref<20480x128xf32, #tpu.memory_space<hbm>> -> memref<128x128xf32, #tpu.memory_space<hbm>>
      tpu.enqueue_dma source(%arg14 : memref<128x128xf32, #tpu.memory_space<vmem>>) target(%dma_start3A_114 : memref<128x128xf32, #tpu.memory_space<hbm>>) target_semaphore(%run_scoped3A : memref<!tpu.dma_semaphore, #tpu.memory_space<semaphore_mem>>)
      %dma_wait3A_115 = arith.constant 0 : i32
      %dma_wait3A_116 = tpu.memref_slice %arg7[%add3A_49, %dma_wait3A_115] : memref<20480x128xf32, #tpu.memory_space<hbm>> -> memref<128x128xf32, #tpu.memory_space<hbm>>
      %dma_wait3A_117 = arith.constant 0 : i32
      %dma_wait3A_118 = tpu.memref_slice %arg7[%add3A_49, %dma_wait3A_117] : memref<20480x128xf32, #tpu.memory_space<hbm>> -> memref<128x128xf32, #tpu.memory_space<hbm>>
      tpu.wait_dma2 semaphore(%run_scoped3A : memref<!tpu.dma_semaphore, #tpu.memory_space<semaphore_mem>>) src(%arg14 : memref<128x128xf32, #tpu.memory_space<vmem>>) dst(%dma_wait3A_118 : memref<128x128xf32, #tpu.memory_space<hbm>>)
      tpu.yield
    }) : () -> ()
    %add3A_50 = arith.constant 256 : i32
    %add3A_51 = arith.addi %mul3A_0, %add3A_50 : i32
    "tpu.region"() ({
      %run_scoped3A = tpu.sem_alloc : memref<!tpu.dma_semaphore, #tpu.memory_space<semaphore_mem>>
      %dma_start3A_111 = arith.constant 0 : i32
      %dma_start3A_112 = tpu.memref_slice %arg9[%add3A_51, %dma_start3A_111] : memref<10240x128xf32, #tpu.memory_space<vmem_shared>> -> memref<128x128xf32, #tpu.memory_space<vmem_shared>>
      %dma_start3A_113 = arith.constant 0 : i32
      %dma_start3A_114 = tpu.memref_slice %arg9[%add3A_51, %dma_start3A_113] : memref<10240x128xf32, #tpu.memory_space<vmem_shared>> -> memref<128x128xf32, #tpu.memory_space<vmem_shared>>
      tpu.enqueue_dma source(%dma_start3A_114 : memref<128x128xf32, #tpu.memory_space<vmem_shared>>) target(%arg14 : memref<128x128xf32, #tpu.memory_space<vmem>>) target_semaphore(%run_scoped3A : memref<!tpu.dma_semaphore, #tpu.memory_space<semaphore_mem>>)
      %dma_wait3A_115 = arith.constant 0 : i32
      %dma_wait3A_116 = tpu.memref_slice %arg9[%add3A_51, %dma_wait3A_115] : memref<10240x128xf32, #tpu.memory_space<vmem_shared>> -> memref<128x128xf32, #tpu.memory_space<vmem_shared>>
      %dma_wait3A_117 = arith.constant 0 : i32
      %dma_wait3A_118 = tpu.memref_slice %arg9[%add3A_51, %dma_wait3A_117] : memref<10240x128xf32, #tpu.memory_space<vmem_shared>> -> memref<128x128xf32, #tpu.memory_space<vmem_shared>>
      tpu.wait_dma2 semaphore(%run_scoped3A : memref<!tpu.dma_semaphore, #tpu.memory_space<semaphore_mem>>) src(%dma_wait3A_118 : memref<128x128xf32, #tpu.memory_space<vmem_shared>>) dst(%arg14 : memref<128x128xf32, #tpu.memory_space<vmem>>)
      tpu.yield
    }) : () -> ()
    %add3A_52 = arith.constant 256 : i32
    %add3A_53 = arith.addi %add3A, %add3A_52 : i32
    "tpu.region"() ({
      %run_scoped3A = tpu.sem_alloc : memref<!tpu.dma_semaphore, #tpu.memory_space<semaphore_mem>>
      %dma_start3A_111 = arith.constant 0 : i32
      %dma_start3A_112 = tpu.memref_slice %arg7[%add3A_53, %dma_start3A_111] : memref<20480x128xf32, #tpu.memory_space<hbm>> -> memref<128x128xf32, #tpu.memory_space<hbm>>
      %dma_start3A_113 = arith.constant 0 : i32
      %dma_start3A_114 = tpu.memref_slice %arg7[%add3A_53, %dma_start3A_113] : memref<20480x128xf32, #tpu.memory_space<hbm>> -> memref<128x128xf32, #tpu.memory_space<hbm>>
      tpu.enqueue_dma source(%arg14 : memref<128x128xf32, #tpu.memory_space<vmem>>) target(%dma_start3A_114 : memref<128x128xf32, #tpu.memory_space<hbm>>) target_semaphore(%run_scoped3A : memref<!tpu.dma_semaphore, #tpu.memory_space<semaphore_mem>>)
      %dma_wait3A_115 = arith.constant 0 : i32
      %dma_wait3A_116 = tpu.memref_slice %arg7[%add3A_53, %dma_wait3A_115] : memref<20480x128xf32, #tpu.memory_space<hbm>> -> memref<128x128xf32, #tpu.memory_space<hbm>>
      %dma_wait3A_117 = arith.constant 0 : i32
      %dma_wait3A_118 = tpu.memref_slice %arg7[%add3A_53, %dma_wait3A_117] : memref<20480x128xf32, #tpu.memory_space<hbm>> -> memref<128x128xf32, #tpu.memory_space<hbm>>
      tpu.wait_dma2 semaphore(%run_scoped3A : memref<!tpu.dma_semaphore, #tpu.memory_space<semaphore_mem>>) src(%arg14 : memref<128x128xf32, #tpu.memory_space<vmem>>) dst(%dma_wait3A_118 : memref<128x128xf32, #tpu.memory_space<hbm>>)
      tpu.yield
    }) : () -> ()
    %add3A_54 = arith.constant 384 : i32
    %add3A_55 = arith.addi %mul3A_0, %add3A_54 : i32
    "tpu.region"() ({
      %run_scoped3A = tpu.sem_alloc : memref<!tpu.dma_semaphore, #tpu.memory_space<semaphore_mem>>
      %dma_start3A_111 = arith.constant 0 : i32
      %dma_start3A_112 = tpu.memref_slice %arg9[%add3A_55, %dma_start3A_111] : memref<10240x128xf32, #tpu.memory_space<vmem_shared>> -> memref<128x128xf32, #tpu.memory_space<vmem_shared>>
      %dma_start3A_113 = arith.constant 0 : i32
      %dma_start3A_114 = tpu.memref_slice %arg9[%add3A_55, %dma_start3A_113] : memref<10240x128xf32, #tpu.memory_space<vmem_shared>> -> memref<128x128xf32, #tpu.memory_space<vmem_shared>>
      tpu.enqueue_dma source(%dma_start3A_114 : memref<128x128xf32, #tpu.memory_space<vmem_shared>>) target(%arg14 : memref<128x128xf32, #tpu.memory_space<vmem>>) target_semaphore(%run_scoped3A : memref<!tpu.dma_semaphore, #tpu.memory_space<semaphore_mem>>)
      %dma_wait3A_115 = arith.constant 0 : i32
      %dma_wait3A_116 = tpu.memref_slice %arg9[%add3A_55, %dma_wait3A_115] : memref<10240x128xf32, #tpu.memory_space<vmem_shared>> -> memref<128x128xf32, #tpu.memory_space<vmem_shared>>
      %dma_wait3A_117 = arith.constant 0 : i32
      %dma_wait3A_118 = tpu.memref_slice %arg9[%add3A_55, %dma_wait3A_117] : memref<10240x128xf32, #tpu.memory_space<vmem_shared>> -> memref<128x128xf32, #tpu.memory_space<vmem_shared>>
      tpu.wait_dma2 semaphore(%run_scoped3A : memref<!tpu.dma_semaphore, #tpu.memory_space<semaphore_mem>>) src(%dma_wait3A_118 : memref<128x128xf32, #tpu.memory_space<vmem_shared>>) dst(%arg14 : memref<128x128xf32, #tpu.memory_space<vmem>>)
      tpu.yield
    }) : () -> ()
    %add3A_56 = arith.constant 384 : i32
    %add3A_57 = arith.addi %add3A, %add3A_56 : i32
    "tpu.region"() ({
      %run_scoped3A = tpu.sem_alloc : memref<!tpu.dma_semaphore, #tpu.memory_space<semaphore_mem>>
      %dma_start3A_111 = arith.constant 0 : i32
      %dma_start3A_112 = tpu.memref_slice %arg7[%add3A_57, %dma_start3A_111] : memref<20480x128xf32, #tpu.memory_space<hbm>> -> memref<128x128xf32, #tpu.memory_space<hbm>>
      %dma_start3A_113 = arith.constant 0 : i32
      %dma_start3A_114 = tpu.memref_slice %arg7[%add3A_57, %dma_start3A_113] : memref<20480x128xf32, #tpu.memory_space<hbm>> -> memref<128x128xf32, #tpu.memory_space<hbm>>
      tpu.enqueue_dma source(%arg14 : memref<128x128xf32, #tpu.memory_space<vmem>>) target(%dma_start3A_114 : memref<128x128xf32, #tpu.memory_space<hbm>>) target_semaphore(%run_scoped3A : memref<!tpu.dma_semaphore, #tpu.memory_space<semaphore_mem>>)
      %dma_wait3A_115 = arith.constant 0 : i32
      %dma_wait3A_116 = tpu.memref_slice %arg7[%add3A_57, %dma_wait3A_115] : memref<20480x128xf32, #tpu.memory_space<hbm>> -> memref<128x128xf32, #tpu.memory_space<hbm>>
      %dma_wait3A_117 = arith.constant 0 : i32
      %dma_wait3A_118 = tpu.memref_slice %arg7[%add3A_57, %dma_wait3A_117] : memref<20480x128xf32, #tpu.memory_space<hbm>> -> memref<128x128xf32, #tpu.memory_space<hbm>>
      tpu.wait_dma2 semaphore(%run_scoped3A : memref<!tpu.dma_semaphore, #tpu.memory_space<semaphore_mem>>) src(%arg14 : memref<128x128xf32, #tpu.memory_space<vmem>>) dst(%dma_wait3A_118 : memref<128x128xf32, #tpu.memory_space<hbm>>)
      tpu.yield
    }) : () -> ()
    %add3A_58 = arith.constant 512 : i32
    %add3A_59 = arith.addi %mul3A_0, %add3A_58 : i32
    "tpu.region"() ({
      %run_scoped3A = tpu.sem_alloc : memref<!tpu.dma_semaphore, #tpu.memory_space<semaphore_mem>>
      %dma_start3A_111 = arith.constant 0 : i32
      %dma_start3A_112 = tpu.memref_slice %arg9[%add3A_59, %dma_start3A_111] : memref<10240x128xf32, #tpu.memory_space<vmem_shared>> -> memref<128x128xf32, #tpu.memory_space<vmem_shared>>
      %dma_start3A_113 = arith.constant 0 : i32
      %dma_start3A_114 = tpu.memref_slice %arg9[%add3A_59, %dma_start3A_113] : memref<10240x128xf32, #tpu.memory_space<vmem_shared>> -> memref<128x128xf32, #tpu.memory_space<vmem_shared>>
      tpu.enqueue_dma source(%dma_start3A_114 : memref<128x128xf32, #tpu.memory_space<vmem_shared>>) target(%arg14 : memref<128x128xf32, #tpu.memory_space<vmem>>) target_semaphore(%run_scoped3A : memref<!tpu.dma_semaphore, #tpu.memory_space<semaphore_mem>>)
      %dma_wait3A_115 = arith.constant 0 : i32
      %dma_wait3A_116 = tpu.memref_slice %arg9[%add3A_59, %dma_wait3A_115] : memref<10240x128xf32, #tpu.memory_space<vmem_shared>> -> memref<128x128xf32, #tpu.memory_space<vmem_shared>>
      %dma_wait3A_117 = arith.constant 0 : i32
      %dma_wait3A_118 = tpu.memref_slice %arg9[%add3A_59, %dma_wait3A_117] : memref<10240x128xf32, #tpu.memory_space<vmem_shared>> -> memref<128x128xf32, #tpu.memory_space<vmem_shared>>
      tpu.wait_dma2 semaphore(%run_scoped3A : memref<!tpu.dma_semaphore, #tpu.memory_space<semaphore_mem>>) src(%dma_wait3A_118 : memref<128x128xf32, #tpu.memory_space<vmem_shared>>) dst(%arg14 : memref<128x128xf32, #tpu.memory_space<vmem>>)
      tpu.yield
    }) : () -> ()
    %add3A_60 = arith.constant 512 : i32
    %add3A_61 = arith.addi %add3A, %add3A_60 : i32
    "tpu.region"() ({
      %run_scoped3A = tpu.sem_alloc : memref<!tpu.dma_semaphore, #tpu.memory_space<semaphore_mem>>
      %dma_start3A_111 = arith.constant 0 : i32
      %dma_start3A_112 = tpu.memref_slice %arg7[%add3A_61, %dma_start3A_111] : memref<20480x128xf32, #tpu.memory_space<hbm>> -> memref<128x128xf32, #tpu.memory_space<hbm>>
      %dma_start3A_113 = arith.constant 0 : i32
      %dma_start3A_114 = tpu.memref_slice %arg7[%add3A_61, %dma_start3A_113] : memref<20480x128xf32, #tpu.memory_space<hbm>> -> memref<128x128xf32, #tpu.memory_space<hbm>>
      tpu.enqueue_dma source(%arg14 : memref<128x128xf32, #tpu.memory_space<vmem>>) target(%dma_start3A_114 : memref<128x128xf32, #tpu.memory_space<hbm>>) target_semaphore(%run_scoped3A : memref<!tpu.dma_semaphore, #tpu.memory_space<semaphore_mem>>)
      %dma_wait3A_115 = arith.constant 0 : i32
      %dma_wait3A_116 = tpu.memref_slice %arg7[%add3A_61, %dma_wait3A_115] : memref<20480x128xf32, #tpu.memory_space<hbm>> -> memref<128x128xf32, #tpu.memory_space<hbm>>
      %dma_wait3A_117 = arith.constant 0 : i32
      %dma_wait3A_118 = tpu.memref_slice %arg7[%add3A_61, %dma_wait3A_117] : memref<20480x128xf32, #tpu.memory_space<hbm>> -> memref<128x128xf32, #tpu.memory_space<hbm>>
      tpu.wait_dma2 semaphore(%run_scoped3A : memref<!tpu.dma_semaphore, #tpu.memory_space<semaphore_mem>>) src(%arg14 : memref<128x128xf32, #tpu.memory_space<vmem>>) dst(%dma_wait3A_118 : memref<128x128xf32, #tpu.memory_space<hbm>>)
      tpu.yield
    }) : () -> ()
    %barrier3A_62 = arith.constant 0 : index
    tpu.barrier barrier_id(%barrier3A_62)
    "tpu.region"() ({
      %run_scoped3A = tpu.sem_alloc : memref<!tpu.dma_semaphore, #tpu.memory_space<semaphore_mem>>
      tpu.enqueue_dma source(%arg5 : memref<128x128xf32, #tpu.memory_space<hbm>>) target(%arg14 : memref<128x128xf32, #tpu.memory_space<vmem>>) target_semaphore(%run_scoped3A : memref<!tpu.dma_semaphore, #tpu.memory_space<semaphore_mem>>)
      tpu.wait_dma2 semaphore(%run_scoped3A : memref<!tpu.dma_semaphore, #tpu.memory_space<semaphore_mem>>) src(%arg5 : memref<128x128xf32, #tpu.memory_space<hbm>>) dst(%arg14 : memref<128x128xf32, #tpu.memory_space<vmem>>)
      tpu.yield
    }) : () -> ()
    %add3A_63 = arith.constant 0 : i32
    %add3A_64 = arith.addi %mul3A_0, %add3A_63 : i32
    "tpu.region"() ({
      %run_scoped3A = tpu.sem_alloc : memref<!tpu.dma_semaphore, #tpu.memory_space<semaphore_mem>>
      %dma_start3A_111 = arith.constant 0 : i32
      %dma_start3A_112 = tpu.memref_slice %arg9[%add3A_64, %dma_start3A_111] : memref<10240x128xf32, #tpu.memory_space<vmem_shared>> -> memref<128x128xf32, #tpu.memory_space<vmem_shared>>
      %dma_start3A_113 = arith.constant 0 : i32
      %dma_start3A_114 = tpu.memref_slice %arg9[%add3A_64, %dma_start3A_113] : memref<10240x128xf32, #tpu.memory_space<vmem_shared>> -> memref<128x128xf32, #tpu.memory_space<vmem_shared>>
      tpu.enqueue_dma source(%arg14 : memref<128x128xf32, #tpu.memory_space<vmem>>) target(%dma_start3A_114 : memref<128x128xf32, #tpu.memory_space<vmem_shared>>) target_semaphore(%run_scoped3A : memref<!tpu.dma_semaphore, #tpu.memory_space<semaphore_mem>>)
      %dma_wait3A_115 = arith.constant 0 : i32
      %dma_wait3A_116 = tpu.memref_slice %arg9[%add3A_64, %dma_wait3A_115] : memref<10240x128xf32, #tpu.memory_space<vmem_shared>> -> memref<128x128xf32, #tpu.memory_space<vmem_shared>>
      %dma_wait3A_117 = arith.constant 0 : i32
      %dma_wait3A_118 = tpu.memref_slice %arg9[%add3A_64, %dma_wait3A_117] : memref<10240x128xf32, #tpu.memory_space<vmem_shared>> -> memref<128x128xf32, #tpu.memory_space<vmem_shared>>
      tpu.wait_dma2 semaphore(%run_scoped3A : memref<!tpu.dma_semaphore, #tpu.memory_space<semaphore_mem>>) src(%arg14 : memref<128x128xf32, #tpu.memory_space<vmem>>) dst(%dma_wait3A_118 : memref<128x128xf32, #tpu.memory_space<vmem_shared>>)
      tpu.yield
    }) : () -> ()
    %add3A_65 = arith.constant 128 : i32
    %add3A_66 = arith.addi %mul3A_0, %add3A_65 : i32
    "tpu.region"() ({
      %run_scoped3A = tpu.sem_alloc : memref<!tpu.dma_semaphore, #tpu.memory_space<semaphore_mem>>
      %dma_start3A_111 = arith.constant 0 : i32
      %dma_start3A_112 = tpu.memref_slice %arg9[%add3A_66, %dma_start3A_111] : memref<10240x128xf32, #tpu.memory_space<vmem_shared>> -> memref<128x128xf32, #tpu.memory_space<vmem_shared>>
      %dma_start3A_113 = arith.constant 0 : i32
      %dma_start3A_114 = tpu.memref_slice %arg9[%add3A_66, %dma_start3A_113] : memref<10240x128xf32, #tpu.memory_space<vmem_shared>> -> memref<128x128xf32, #tpu.memory_space<vmem_shared>>
      tpu.enqueue_dma source(%arg14 : memref<128x128xf32, #tpu.memory_space<vmem>>) target(%dma_start3A_114 : memref<128x128xf32, #tpu.memory_space<vmem_shared>>) target_semaphore(%run_scoped3A : memref<!tpu.dma_semaphore, #tpu.memory_space<semaphore_mem>>)
      %dma_wait3A_115 = arith.constant 0 : i32
      %dma_wait3A_116 = tpu.memref_slice %arg9[%add3A_66, %dma_wait3A_115] : memref<10240x128xf32, #tpu.memory_space<vmem_shared>> -> memref<128x128xf32, #tpu.memory_space<vmem_shared>>
      %dma_wait3A_117 = arith.constant 0 : i32
      %dma_wait3A_118 = tpu.memref_slice %arg9[%add3A_66, %dma_wait3A_117] : memref<10240x128xf32, #tpu.memory_space<vmem_shared>> -> memref<128x128xf32, #tpu.memory_space<vmem_shared>>
      tpu.wait_dma2 semaphore(%run_scoped3A : memref<!tpu.dma_semaphore, #tpu.memory_space<semaphore_mem>>) src(%arg14 : memref<128x128xf32, #tpu.memory_space<vmem>>) dst(%dma_wait3A_118 : memref<128x128xf32, #tpu.memory_space<vmem_shared>>)
      tpu.yield
    }) : () -> ()
    %add3A_67 = arith.constant 256 : i32
    %add3A_68 = arith.addi %mul3A_0, %add3A_67 : i32
    "tpu.region"() ({
      %run_scoped3A = tpu.sem_alloc : memref<!tpu.dma_semaphore, #tpu.memory_space<semaphore_mem>>
      %dma_start3A_111 = arith.constant 0 : i32
      %dma_start3A_112 = tpu.memref_slice %arg9[%add3A_68, %dma_start3A_111] : memref<10240x128xf32, #tpu.memory_space<vmem_shared>> -> memref<128x128xf32, #tpu.memory_space<vmem_shared>>
      %dma_start3A_113 = arith.constant 0 : i32
      %dma_start3A_114 = tpu.memref_slice %arg9[%add3A_68, %dma_start3A_113] : memref<10240x128xf32, #tpu.memory_space<vmem_shared>> -> memref<128x128xf32, #tpu.memory_space<vmem_shared>>
      tpu.enqueue_dma source(%arg14 : memref<128x128xf32, #tpu.memory_space<vmem>>) target(%dma_start3A_114 : memref<128x128xf32, #tpu.memory_space<vmem_shared>>) target_semaphore(%run_scoped3A : memref<!tpu.dma_semaphore, #tpu.memory_space<semaphore_mem>>)
      %dma_wait3A_115 = arith.constant 0 : i32
      %dma_wait3A_116 = tpu.memref_slice %arg9[%add3A_68, %dma_wait3A_115] : memref<10240x128xf32, #tpu.memory_space<vmem_shared>> -> memref<128x128xf32, #tpu.memory_space<vmem_shared>>
      %dma_wait3A_117 = arith.constant 0 : i32
      %dma_wait3A_118 = tpu.memref_slice %arg9[%add3A_68, %dma_wait3A_117] : memref<10240x128xf32, #tpu.memory_space<vmem_shared>> -> memref<128x128xf32, #tpu.memory_space<vmem_shared>>
      tpu.wait_dma2 semaphore(%run_scoped3A : memref<!tpu.dma_semaphore, #tpu.memory_space<semaphore_mem>>) src(%arg14 : memref<128x128xf32, #tpu.memory_space<vmem>>) dst(%dma_wait3A_118 : memref<128x128xf32, #tpu.memory_space<vmem_shared>>)
      tpu.yield
    }) : () -> ()
    %add3A_69 = arith.constant 384 : i32
    %add3A_70 = arith.addi %mul3A_0, %add3A_69 : i32
    "tpu.region"() ({
      %run_scoped3A = tpu.sem_alloc : memref<!tpu.dma_semaphore, #tpu.memory_space<semaphore_mem>>
      %dma_start3A_111 = arith.constant 0 : i32
      %dma_start3A_112 = tpu.memref_slice %arg9[%add3A_70, %dma_start3A_111] : memref<10240x128xf32, #tpu.memory_space<vmem_shared>> -> memref<128x128xf32, #tpu.memory_space<vmem_shared>>
      %dma_start3A_113 = arith.constant 0 : i32
      %dma_start3A_114 = tpu.memref_slice %arg9[%add3A_70, %dma_start3A_113] : memref<10240x128xf32, #tpu.memory_space<vmem_shared>> -> memref<128x128xf32, #tpu.memory_space<vmem_shared>>
      tpu.enqueue_dma source(%arg14 : memref<128x128xf32, #tpu.memory_space<vmem>>) target(%dma_start3A_114 : memref<128x128xf32, #tpu.memory_space<vmem_shared>>) target_semaphore(%run_scoped3A : memref<!tpu.dma_semaphore, #tpu.memory_space<semaphore_mem>>)
      %dma_wait3A_115 = arith.constant 0 : i32
      %dma_wait3A_116 = tpu.memref_slice %arg9[%add3A_70, %dma_wait3A_115] : memref<10240x128xf32, #tpu.memory_space<vmem_shared>> -> memref<128x128xf32, #tpu.memory_space<vmem_shared>>
      %dma_wait3A_117 = arith.constant 0 : i32
      %dma_wait3A_118 = tpu.memref_slice %arg9[%add3A_70, %dma_wait3A_117] : memref<10240x128xf32, #tpu.memory_space<vmem_shared>> -> memref<128x128xf32, #tpu.memory_space<vmem_shared>>
      tpu.wait_dma2 semaphore(%run_scoped3A : memref<!tpu.dma_semaphore, #tpu.memory_space<semaphore_mem>>) src(%arg14 : memref<128x128xf32, #tpu.memory_space<vmem>>) dst(%dma_wait3A_118 : memref<128x128xf32, #tpu.memory_space<vmem_shared>>)
      tpu.yield
    }) : () -> ()
    %add3A_71 = arith.constant 512 : i32
    %add3A_72 = arith.addi %mul3A_0, %add3A_71 : i32
    "tpu.region"() ({
      %run_scoped3A = tpu.sem_alloc : memref<!tpu.dma_semaphore, #tpu.memory_space<semaphore_mem>>
      %dma_start3A_111 = arith.constant 0 : i32
      %dma_start3A_112 = tpu.memref_slice %arg9[%add3A_72, %dma_start3A_111] : memref<10240x128xf32, #tpu.memory_space<vmem_shared>> -> memref<128x128xf32, #tpu.memory_space<vmem_shared>>
      %dma_start3A_113 = arith.constant 0 : i32
      %dma_start3A_114 = tpu.memref_slice %arg9[%add3A_72, %dma_start3A_113] : memref<10240x128xf32, #tpu.memory_space<vmem_shared>> -> memref<128x128xf32, #tpu.memory_space<vmem_shared>>
      tpu.enqueue_dma source(%arg14 : memref<128x128xf32, #tpu.memory_space<vmem>>) target(%dma_start3A_114 : memref<128x128xf32, #tpu.memory_space<vmem_shared>>) target_semaphore(%run_scoped3A : memref<!tpu.dma_semaphore, #tpu.memory_space<semaphore_mem>>)
      %dma_wait3A_115 = arith.constant 0 : i32
      %dma_wait3A_116 = tpu.memref_slice %arg9[%add3A_72, %dma_wait3A_115] : memref<10240x128xf32, #tpu.memory_space<vmem_shared>> -> memref<128x128xf32, #tpu.memory_space<vmem_shared>>
      %dma_wait3A_117 = arith.constant 0 : i32
      %dma_wait3A_118 = tpu.memref_slice %arg9[%add3A_72, %dma_wait3A_117] : memref<10240x128xf32, #tpu.memory_space<vmem_shared>> -> memref<128x128xf32, #tpu.memory_space<vmem_shared>>
      tpu.wait_dma2 semaphore(%run_scoped3A : memref<!tpu.dma_semaphore, #tpu.memory_space<semaphore_mem>>) src(%arg14 : memref<128x128xf32, #tpu.memory_space<vmem>>) dst(%dma_wait3A_118 : memref<128x128xf32, #tpu.memory_space<vmem_shared>>)
      tpu.yield
    }) : () -> ()
    %barrier3A_73 = arith.constant 0 : index
    tpu.barrier barrier_id(%barrier3A_73)
    "tpu.region"() ({
      %run_scoped3A = tpu.sem_alloc : memref<!tpu.dma_semaphore, #tpu.memory_space<semaphore_mem>>
      tpu.enqueue_dma source(%arg6 : memref<128x128xf32, #tpu.memory_space<hbm>>) target(%arg15 : memref<128x128xf32, #tpu.memory_space<vmem>>) target_semaphore(%run_scoped3A : memref<!tpu.dma_semaphore, #tpu.memory_space<semaphore_mem>>)
      tpu.wait_dma2 semaphore(%run_scoped3A : memref<!tpu.dma_semaphore, #tpu.memory_space<semaphore_mem>>) src(%arg6 : memref<128x128xf32, #tpu.memory_space<hbm>>) dst(%arg15 : memref<128x128xf32, #tpu.memory_space<vmem>>)
      tpu.yield
    }) : () -> ()
    %add3A_74 = arith.constant 0 : i32
    %add3A_75 = arith.addi %add3A_7, %add3A_74 : i32
    %multiple_of3A_76 = tpu.assume_multiple %add3A_75, 8 : i32
    %dma_start3A_77 = tpu.memref_slice %arg4[%multiple_of3A_76] : memref<320000xi32, #tpu.memory_space<hbm>> -> memref<128xi32, #tpu.memory_space<hbm>>
    %dma_start3A_78 = tpu.memref_slice %arg4[%multiple_of3A_76] : memref<320000xi32, #tpu.memory_space<hbm>> -> memref<128xi32, #tpu.memory_space<hbm>>
    tpu.enqueue_dma source(%dma_start3A_78 : memref<128xi32, #tpu.memory_space<hbm>>) target(%arg11 : memref<128xi32, #tpu.memory_space<vmem>>) target_semaphore(%arg19 : memref<!tpu.dma_semaphore, #tpu.memory_space<semaphore_mem>>)
    %add3A_79 = arith.constant 128 : i32
    %add3A_80 = arith.addi %add3A_7, %add3A_79 : i32
    %multiple_of3A_81 = tpu.assume_multiple %add3A_80, 8 : i32
    %dma_start3A_82 = tpu.memref_slice %arg4[%multiple_of3A_81] : memref<320000xi32, #tpu.memory_space<hbm>> -> memref<128xi32, #tpu.memory_space<hbm>>
    %dma_start3A_83 = tpu.memref_slice %arg4[%multiple_of3A_81] : memref<320000xi32, #tpu.memory_space<hbm>> -> memref<128xi32, #tpu.memory_space<hbm>>
    tpu.enqueue_dma source(%dma_start3A_83 : memref<128xi32, #tpu.memory_space<hbm>>) target(%arg13 : memref<128xi32, #tpu.memory_space<vmem>>) target_semaphore(%arg20 : memref<!tpu.dma_semaphore, #tpu.memory_space<semaphore_mem>>)
    %scan3A_84 = arith.constant 0 : i32
    %scan3A_85 = arith.constant 0 : i32
    %scan3A_86 = arith.constant 39 : i32
    %scan3A_87 = arith.addi %scan3A_85, %scan3A_86 : i32
    %scan3A_88 = arith.constant 1 : i32
    scf.for %scan3A_111 = %scan3A_85 to %scan3A_87 step %scan3A_88  : i32 {
      %mul3A_112 = arith.constant 2 : i32
      %mul3A_113 = arith.muli %scan3A_111, %mul3A_112 : i32
      %dma_wait3A_114 = tpu.memref_slice %arg4[%multiple_of3A_76] : memref<320000xi32, #tpu.memory_space<hbm>> -> memref<128xi32, #tpu.memory_space<hbm>>
      %dma_wait3A_115 = tpu.memref_slice %arg4[%multiple_of3A_76] : memref<320000xi32, #tpu.memory_space<hbm>> -> memref<128xi32, #tpu.memory_space<hbm>>
      tpu.wait_dma2 semaphore(%arg19 : memref<!tpu.dma_semaphore, #tpu.memory_space<semaphore_mem>>) src(%dma_wait3A_115 : memref<128xi32, #tpu.memory_space<hbm>>) dst(%arg11 : memref<128xi32, #tpu.memory_space<vmem>>)
      "tpu.region"() ({
        %run_scoped3A = tpu.sem_alloc : memref<!tpu.dma_semaphore, #tpu.memory_space<semaphore_mem>>
        %dma_start3A_129 = arith.constant 0 : i32
        %dma_start3A_130 = arith.constant 0 : i32
        %dma_start3A_131 = tpu.memref_slice %arg9[%dma_start3A_129, %dma_start3A_130] : memref<10240x128xf32, #tpu.memory_space<vmem_shared>> -> memref<10240x128xf32, #tpu.memory_space<vmem_shared>>
        tpu.enqueue_indirect_dma source(%arg15 : memref<128x128xf32, #tpu.memory_space<vmem>>) target(%dma_start3A_131 : memref<10240x128xf32, #tpu.memory_space<vmem_shared>>) offsets(%arg11 : memref<128xi32, #tpu.memory_space<vmem>>) semaphore(%run_scoped3A : memref<!tpu.dma_semaphore, #tpu.memory_space<semaphore_mem>>) {add = true}
        %dma_wait3A_132 = arith.constant 0 : i32
        %dma_wait3A_133 = arith.constant 0 : i32
        %dma_wait3A_134 = tpu.memref_slice %arg9[%dma_wait3A_132, %dma_wait3A_133] : memref<10240x128xf32, #tpu.memory_space<vmem_shared>> -> memref<10240x128xf32, #tpu.memory_space<vmem_shared>>
        tpu.wait_indirect_dma semaphore(%run_scoped3A : memref<!tpu.dma_semaphore, #tpu.memory_space<semaphore_mem>>) src(%arg15 : memref<128x128xf32, #tpu.memory_space<vmem>>) dst(%dma_wait3A_134 : memref<10240x128xf32, #tpu.memory_space<vmem_shared>>)
        tpu.yield
      }) : () -> ()
      %add3A_116 = arith.constant 2 : i32
      %add3A_117 = arith.addi %mul3A_113, %add3A_116 : i32
      %lt3A = arith.constant 78 : i32
      %lt3A_118 = arith.cmpi slt, %add3A_117, %lt3A : i32
      %convert_element_type3A = arith.extui %lt3A_118 : i1 to i32
      %cond3A = arith.constant 0 : i32
      %cond3A_119 = arith.cmpi ne, %convert_element_type3A, %cond3A : i32
      scf.if %cond3A_119 {
        %add3A_129 = arith.constant 2 : i32
        %add3A_130 = arith.addi %mul3A_113, %add3A_129 : i32
        %mul3A_131 = arith.constant 128 : i32
        %mul3A_132 = arith.muli %add3A_130, %mul3A_131 : i32
        %add3A_133 = arith.addi %add3A_7, %mul3A_132 : i32
        %multiple_of3A_134 = tpu.assume_multiple %add3A_133, 8 : i32
        %dma_start3A_135 = tpu.memref_slice %arg4[%multiple_of3A_134] : memref<320000xi32, #tpu.memory_space<hbm>> -> memref<128xi32, #tpu.memory_space<hbm>>
        %dma_start3A_136 = tpu.memref_slice %arg4[%multiple_of3A_134] : memref<320000xi32, #tpu.memory_space<hbm>> -> memref<128xi32, #tpu.memory_space<hbm>>
        tpu.enqueue_dma source(%dma_start3A_136 : memref<128xi32, #tpu.memory_space<hbm>>) target(%arg11 : memref<128xi32, #tpu.memory_space<vmem>>) target_semaphore(%arg19 : memref<!tpu.dma_semaphore, #tpu.memory_space<semaphore_mem>>)
      } else {
      }
      %dma_wait3A_120 = tpu.memref_slice %arg4[%multiple_of3A_81] : memref<320000xi32, #tpu.memory_space<hbm>> -> memref<128xi32, #tpu.memory_space<hbm>>
      %dma_wait3A_121 = tpu.memref_slice %arg4[%multiple_of3A_81] : memref<320000xi32, #tpu.memory_space<hbm>> -> memref<128xi32, #tpu.memory_space<hbm>>
      tpu.wait_dma2 semaphore(%arg20 : memref<!tpu.dma_semaphore, #tpu.memory_space<semaphore_mem>>) src(%dma_wait3A_121 : memref<128xi32, #tpu.memory_space<hbm>>) dst(%arg13 : memref<128xi32, #tpu.memory_space<vmem>>)
      "tpu.region"() ({
        %run_scoped3A = tpu.sem_alloc : memref<!tpu.dma_semaphore, #tpu.memory_space<semaphore_mem>>
        %dma_start3A_129 = arith.constant 0 : i32
        %dma_start3A_130 = arith.constant 0 : i32
        %dma_start3A_131 = tpu.memref_slice %arg9[%dma_start3A_129, %dma_start3A_130] : memref<10240x128xf32, #tpu.memory_space<vmem_shared>> -> memref<10240x128xf32, #tpu.memory_space<vmem_shared>>
        tpu.enqueue_indirect_dma source(%arg15 : memref<128x128xf32, #tpu.memory_space<vmem>>) target(%dma_start3A_131 : memref<10240x128xf32, #tpu.memory_space<vmem_shared>>) offsets(%arg13 : memref<128xi32, #tpu.memory_space<vmem>>) semaphore(%run_scoped3A : memref<!tpu.dma_semaphore, #tpu.memory_space<semaphore_mem>>) {add = true}
        %dma_wait3A_132 = arith.constant 0 : i32
        %dma_wait3A_133 = arith.constant 0 : i32
        %dma_wait3A_134 = tpu.memref_slice %arg9[%dma_wait3A_132, %dma_wait3A_133] : memref<10240x128xf32, #tpu.memory_space<vmem_shared>> -> memref<10240x128xf32, #tpu.memory_space<vmem_shared>>
        tpu.wait_indirect_dma semaphore(%run_scoped3A : memref<!tpu.dma_semaphore, #tpu.memory_space<semaphore_mem>>) src(%arg15 : memref<128x128xf32, #tpu.memory_space<vmem>>) dst(%dma_wait3A_134 : memref<10240x128xf32, #tpu.memory_space<vmem_shared>>)
        tpu.yield
      }) : () -> ()
      %add3A_122 = arith.constant 3 : i32
      %add3A_123 = arith.addi %mul3A_113, %add3A_122 : i32
      %lt3A_124 = arith.constant 78 : i32
      %lt3A_125 = arith.cmpi slt, %add3A_123, %lt3A_124 : i32
      %convert_element_type3A_126 = arith.extui %lt3A_125 : i1 to i32
      %cond3A_127 = arith.constant 0 : i32
      %cond3A_128 = arith.cmpi ne, %convert_element_type3A_126, %cond3A_127 : i32
      scf.if %cond3A_128 {
        %add3A_129 = arith.constant 3 : i32
        %add3A_130 = arith.addi %mul3A_113, %add3A_129 : i32
        %mul3A_131 = arith.constant 128 : i32
        %mul3A_132 = arith.muli %add3A_130, %mul3A_131 : i32
        %add3A_133 = arith.addi %add3A_7, %mul3A_132 : i32
        %multiple_of3A_134 = tpu.assume_multiple %add3A_133, 8 : i32
        %dma_start3A_135 = tpu.memref_slice %arg4[%multiple_of3A_134] : memref<320000xi32, #tpu.memory_space<hbm>> -> memref<128xi32, #tpu.memory_space<hbm>>
        %dma_start3A_136 = tpu.memref_slice %arg4[%multiple_of3A_134] : memref<320000xi32, #tpu.memory_space<hbm>> -> memref<128xi32, #tpu.memory_space<hbm>>
        tpu.enqueue_dma source(%dma_start3A_136 : memref<128xi32, #tpu.memory_space<hbm>>) target(%arg13 : memref<128xi32, #tpu.memory_space<vmem>>) target_semaphore(%arg20 : memref<!tpu.dma_semaphore, #tpu.memory_space<semaphore_mem>>)
      } else {
      }
    }
    %scan3A_89 = arith.constant 39 : i32
    "tpu.region"() ({
      %run_scoped3A = tpu.sem_alloc : memref<!tpu.dma_semaphore, #tpu.memory_space<semaphore_mem>>
      %dma_start3A_111 = tpu.memref_slice %arg4[%multiple_of3A_35] : memref<320000xi32, #tpu.memory_space<hbm>> -> memref<16xi32, #tpu.memory_space<hbm>>
      %dma_start3A_112 = tpu.memref_slice %arg4[%multiple_of3A_35] : memref<320000xi32, #tpu.memory_space<hbm>> -> memref<16xi32, #tpu.memory_space<hbm>>
      tpu.enqueue_dma source(%dma_start3A_112 : memref<16xi32, #tpu.memory_space<hbm>>) target(%arg17 : memref<16xi32, #tpu.memory_space<vmem>>) target_semaphore(%run_scoped3A : memref<!tpu.dma_semaphore, #tpu.memory_space<semaphore_mem>>)
      %dma_wait3A_113 = tpu.memref_slice %arg4[%multiple_of3A_35] : memref<320000xi32, #tpu.memory_space<hbm>> -> memref<16xi32, #tpu.memory_space<hbm>>
      %dma_wait3A_114 = tpu.memref_slice %arg4[%multiple_of3A_35] : memref<320000xi32, #tpu.memory_space<hbm>> -> memref<16xi32, #tpu.memory_space<hbm>>
      tpu.wait_dma2 semaphore(%run_scoped3A : memref<!tpu.dma_semaphore, #tpu.memory_space<semaphore_mem>>) src(%dma_wait3A_114 : memref<16xi32, #tpu.memory_space<hbm>>) dst(%arg17 : memref<16xi32, #tpu.memory_space<vmem>>)
      tpu.yield
    }) : () -> ()
    "tpu.region"() ({
      %run_scoped3A = tpu.sem_alloc : memref<!tpu.dma_semaphore, #tpu.memory_space<semaphore_mem>>
      %dma_start3A_111 = arith.constant 0 : i32
      %dma_start3A_112 = arith.constant 0 : i32
      %dma_start3A_113 = tpu.memref_slice %arg6[%dma_start3A_111, %dma_start3A_112] : memref<128x128xf32, #tpu.memory_space<hbm>> -> memref<16x128xf32, #tpu.memory_space<hbm>>
      %dma_start3A_114 = arith.constant 0 : i32
      %dma_start3A_115 = arith.constant 0 : i32
      %dma_start3A_116 = tpu.memref_slice %arg6[%dma_start3A_114, %dma_start3A_115] : memref<128x128xf32, #tpu.memory_space<hbm>> -> memref<16x128xf32, #tpu.memory_space<hbm>>
      tpu.enqueue_dma source(%dma_start3A_116 : memref<16x128xf32, #tpu.memory_space<hbm>>) target(%arg18 : memref<16x128xf32, #tpu.memory_space<vmem>>) target_semaphore(%run_scoped3A : memref<!tpu.dma_semaphore, #tpu.memory_space<semaphore_mem>>)
      %dma_wait3A_117 = arith.constant 0 : i32
      %dma_wait3A_118 = arith.constant 0 : i32
      %dma_wait3A_119 = tpu.memref_slice %arg6[%dma_wait3A_117, %dma_wait3A_118] : memref<128x128xf32, #tpu.memory_space<hbm>> -> memref<16x128xf32, #tpu.memory_space<hbm>>
      %dma_wait3A_120 = arith.constant 0 : i32
      %dma_wait3A_121 = arith.constant 0 : i32
      %dma_wait3A_122 = tpu.memref_slice %arg6[%dma_wait3A_120, %dma_wait3A_121] : memref<128x128xf32, #tpu.memory_space<hbm>> -> memref<16x128xf32, #tpu.memory_space<hbm>>
      tpu.wait_dma2 semaphore(%run_scoped3A : memref<!tpu.dma_semaphore, #tpu.memory_space<semaphore_mem>>) src(%dma_wait3A_122 : memref<16x128xf32, #tpu.memory_space<hbm>>) dst(%arg18 : memref<16x128xf32, #tpu.memory_space<vmem>>)
      tpu.yield
    }) : () -> ()
    "tpu.region"() ({
      %run_scoped3A = tpu.sem_alloc : memref<!tpu.dma_semaphore, #tpu.memory_space<semaphore_mem>>
      %dma_start3A_111 = arith.constant 0 : i32
      %dma_start3A_112 = arith.constant 0 : i32
      %dma_start3A_113 = tpu.memref_slice %arg9[%dma_start3A_111, %dma_start3A_112] : memref<10240x128xf32, #tpu.memory_space<vmem_shared>> -> memref<10240x128xf32, #tpu.memory_space<vmem_shared>>
      tpu.enqueue_indirect_dma source(%arg18 : memref<16x128xf32, #tpu.memory_space<vmem>>) target(%dma_start3A_113 : memref<10240x128xf32, #tpu.memory_space<vmem_shared>>) offsets(%arg17 : memref<16xi32, #tpu.memory_space<vmem>>) semaphore(%run_scoped3A : memref<!tpu.dma_semaphore, #tpu.memory_space<semaphore_mem>>) {add = true}
      %dma_wait3A_114 = arith.constant 0 : i32
      %dma_wait3A_115 = arith.constant 0 : i32
      %dma_wait3A_116 = tpu.memref_slice %arg9[%dma_wait3A_114, %dma_wait3A_115] : memref<10240x128xf32, #tpu.memory_space<vmem_shared>> -> memref<10240x128xf32, #tpu.memory_space<vmem_shared>>
      tpu.wait_indirect_dma semaphore(%run_scoped3A : memref<!tpu.dma_semaphore, #tpu.memory_space<semaphore_mem>>) src(%arg18 : memref<16x128xf32, #tpu.memory_space<vmem>>) dst(%dma_wait3A_116 : memref<10240x128xf32, #tpu.memory_space<vmem_shared>>)
      tpu.yield
    }) : () -> ()
    %barrier3A_90 = arith.constant 0 : index
    tpu.barrier barrier_id(%barrier3A_90)
    %add3A_91 = arith.constant 0 : i32
    %add3A_92 = arith.addi %mul3A_0, %add3A_91 : i32
    "tpu.region"() ({
      %run_scoped3A = tpu.sem_alloc : memref<!tpu.dma_semaphore, #tpu.memory_space<semaphore_mem>>
      %dma_start3A_111 = arith.constant 0 : i32
      %dma_start3A_112 = tpu.memref_slice %arg9[%add3A_92, %dma_start3A_111] : memref<10240x128xf32, #tpu.memory_space<vmem_shared>> -> memref<128x128xf32, #tpu.memory_space<vmem_shared>>
      %dma_start3A_113 = arith.constant 0 : i32
      %dma_start3A_114 = tpu.memref_slice %arg9[%add3A_92, %dma_start3A_113] : memref<10240x128xf32, #tpu.memory_space<vmem_shared>> -> memref<128x128xf32, #tpu.memory_space<vmem_shared>>
      tpu.enqueue_dma source(%dma_start3A_114 : memref<128x128xf32, #tpu.memory_space<vmem_shared>>) target(%arg14 : memref<128x128xf32, #tpu.memory_space<vmem>>) target_semaphore(%run_scoped3A : memref<!tpu.dma_semaphore, #tpu.memory_space<semaphore_mem>>)
      %dma_wait3A_115 = arith.constant 0 : i32
      %dma_wait3A_116 = tpu.memref_slice %arg9[%add3A_92, %dma_wait3A_115] : memref<10240x128xf32, #tpu.memory_space<vmem_shared>> -> memref<128x128xf32, #tpu.memory_space<vmem_shared>>
      %dma_wait3A_117 = arith.constant 0 : i32
      %dma_wait3A_118 = tpu.memref_slice %arg9[%add3A_92, %dma_wait3A_117] : memref<10240x128xf32, #tpu.memory_space<vmem_shared>> -> memref<128x128xf32, #tpu.memory_space<vmem_shared>>
      tpu.wait_dma2 semaphore(%run_scoped3A : memref<!tpu.dma_semaphore, #tpu.memory_space<semaphore_mem>>) src(%dma_wait3A_118 : memref<128x128xf32, #tpu.memory_space<vmem_shared>>) dst(%arg14 : memref<128x128xf32, #tpu.memory_space<vmem>>)
      tpu.yield
    }) : () -> ()
    %add3A_93 = arith.constant 0 : i32
    %add3A_94 = arith.addi %add3A, %add3A_93 : i32
    "tpu.region"() ({
      %run_scoped3A = tpu.sem_alloc : memref<!tpu.dma_semaphore, #tpu.memory_space<semaphore_mem>>
      %dma_start3A_111 = arith.constant 0 : i32
      %dma_start3A_112 = tpu.memref_slice %arg8[%add3A_94, %dma_start3A_111] : memref<20480x128xf32, #tpu.memory_space<hbm>> -> memref<128x128xf32, #tpu.memory_space<hbm>>
      %dma_start3A_113 = arith.constant 0 : i32
      %dma_start3A_114 = tpu.memref_slice %arg8[%add3A_94, %dma_start3A_113] : memref<20480x128xf32, #tpu.memory_space<hbm>> -> memref<128x128xf32, #tpu.memory_space<hbm>>
      tpu.enqueue_dma source(%arg14 : memref<128x128xf32, #tpu.memory_space<vmem>>) target(%dma_start3A_114 : memref<128x128xf32, #tpu.memory_space<hbm>>) target_semaphore(%run_scoped3A : memref<!tpu.dma_semaphore, #tpu.memory_space<semaphore_mem>>)
      %dma_wait3A_115 = arith.constant 0 : i32
      %dma_wait3A_116 = tpu.memref_slice %arg8[%add3A_94, %dma_wait3A_115] : memref<20480x128xf32, #tpu.memory_space<hbm>> -> memref<128x128xf32, #tpu.memory_space<hbm>>
      %dma_wait3A_117 = arith.constant 0 : i32
      %dma_wait3A_118 = tpu.memref_slice %arg8[%add3A_94, %dma_wait3A_117] : memref<20480x128xf32, #tpu.memory_space<hbm>> -> memref<128x128xf32, #tpu.memory_space<hbm>>
      tpu.wait_dma2 semaphore(%run_scoped3A : memref<!tpu.dma_semaphore, #tpu.memory_space<semaphore_mem>>) src(%arg14 : memref<128x128xf32, #tpu.memory_space<vmem>>) dst(%dma_wait3A_118 : memref<128x128xf32, #tpu.memory_space<hbm>>)
      tpu.yield
    }) : () -> ()
    %add3A_95 = arith.constant 128 : i32
    %add3A_96 = arith.addi %mul3A_0, %add3A_95 : i32
    "tpu.region"() ({
      %run_scoped3A = tpu.sem_alloc : memref<!tpu.dma_semaphore, #tpu.memory_space<semaphore_mem>>
      %dma_start3A_111 = arith.constant 0 : i32
      %dma_start3A_112 = tpu.memref_slice %arg9[%add3A_96, %dma_start3A_111] : memref<10240x128xf32, #tpu.memory_space<vmem_shared>> -> memref<128x128xf32, #tpu.memory_space<vmem_shared>>
      %dma_start3A_113 = arith.constant 0 : i32
      %dma_start3A_114 = tpu.memref_slice %arg9[%add3A_96, %dma_start3A_113] : memref<10240x128xf32, #tpu.memory_space<vmem_shared>> -> memref<128x128xf32, #tpu.memory_space<vmem_shared>>
      tpu.enqueue_dma source(%dma_start3A_114 : memref<128x128xf32, #tpu.memory_space<vmem_shared>>) target(%arg14 : memref<128x128xf32, #tpu.memory_space<vmem>>) target_semaphore(%run_scoped3A : memref<!tpu.dma_semaphore, #tpu.memory_space<semaphore_mem>>)
      %dma_wait3A_115 = arith.constant 0 : i32
      %dma_wait3A_116 = tpu.memref_slice %arg9[%add3A_96, %dma_wait3A_115] : memref<10240x128xf32, #tpu.memory_space<vmem_shared>> -> memref<128x128xf32, #tpu.memory_space<vmem_shared>>
      %dma_wait3A_117 = arith.constant 0 : i32
      %dma_wait3A_118 = tpu.memref_slice %arg9[%add3A_96, %dma_wait3A_117] : memref<10240x128xf32, #tpu.memory_space<vmem_shared>> -> memref<128x128xf32, #tpu.memory_space<vmem_shared>>
      tpu.wait_dma2 semaphore(%run_scoped3A : memref<!tpu.dma_semaphore, #tpu.memory_space<semaphore_mem>>) src(%dma_wait3A_118 : memref<128x128xf32, #tpu.memory_space<vmem_shared>>) dst(%arg14 : memref<128x128xf32, #tpu.memory_space<vmem>>)
      tpu.yield
    }) : () -> ()
    %add3A_97 = arith.constant 128 : i32
    %add3A_98 = arith.addi %add3A, %add3A_97 : i32
    "tpu.region"() ({
      %run_scoped3A = tpu.sem_alloc : memref<!tpu.dma_semaphore, #tpu.memory_space<semaphore_mem>>
      %dma_start3A_111 = arith.constant 0 : i32
      %dma_start3A_112 = tpu.memref_slice %arg8[%add3A_98, %dma_start3A_111] : memref<20480x128xf32, #tpu.memory_space<hbm>> -> memref<128x128xf32, #tpu.memory_space<hbm>>
      %dma_start3A_113 = arith.constant 0 : i32
      %dma_start3A_114 = tpu.memref_slice %arg8[%add3A_98, %dma_start3A_113] : memref<20480x128xf32, #tpu.memory_space<hbm>> -> memref<128x128xf32, #tpu.memory_space<hbm>>
      tpu.enqueue_dma source(%arg14 : memref<128x128xf32, #tpu.memory_space<vmem>>) target(%dma_start3A_114 : memref<128x128xf32, #tpu.memory_space<hbm>>) target_semaphore(%run_scoped3A : memref<!tpu.dma_semaphore, #tpu.memory_space<semaphore_mem>>)
      %dma_wait3A_115 = arith.constant 0 : i32
      %dma_wait3A_116 = tpu.memref_slice %arg8[%add3A_98, %dma_wait3A_115] : memref<20480x128xf32, #tpu.memory_space<hbm>> -> memref<128x128xf32, #tpu.memory_space<hbm>>
      %dma_wait3A_117 = arith.constant 0 : i32
      %dma_wait3A_118 = tpu.memref_slice %arg8[%add3A_98, %dma_wait3A_117] : memref<20480x128xf32, #tpu.memory_space<hbm>> -> memref<128x128xf32, #tpu.memory_space<hbm>>
      tpu.wait_dma2 semaphore(%run_scoped3A : memref<!tpu.dma_semaphore, #tpu.memory_space<semaphore_mem>>) src(%arg14 : memref<128x128xf32, #tpu.memory_space<vmem>>) dst(%dma_wait3A_118 : memref<128x128xf32, #tpu.memory_space<hbm>>)
      tpu.yield
    }) : () -> ()
    %add3A_99 = arith.constant 256 : i32
    %add3A_100 = arith.addi %mul3A_0, %add3A_99 : i32
    "tpu.region"() ({
      %run_scoped3A = tpu.sem_alloc : memref<!tpu.dma_semaphore, #tpu.memory_space<semaphore_mem>>
      %dma_start3A_111 = arith.constant 0 : i32
      %dma_start3A_112 = tpu.memref_slice %arg9[%add3A_100, %dma_start3A_111] : memref<10240x128xf32, #tpu.memory_space<vmem_shared>> -> memref<128x128xf32, #tpu.memory_space<vmem_shared>>
      %dma_start3A_113 = arith.constant 0 : i32
      %dma_start3A_114 = tpu.memref_slice %arg9[%add3A_100, %dma_start3A_113] : memref<10240x128xf32, #tpu.memory_space<vmem_shared>> -> memref<128x128xf32, #tpu.memory_space<vmem_shared>>
      tpu.enqueue_dma source(%dma_start3A_114 : memref<128x128xf32, #tpu.memory_space<vmem_shared>>) target(%arg14 : memref<128x128xf32, #tpu.memory_space<vmem>>) target_semaphore(%run_scoped3A : memref<!tpu.dma_semaphore, #tpu.memory_space<semaphore_mem>>)
      %dma_wait3A_115 = arith.constant 0 : i32
      %dma_wait3A_116 = tpu.memref_slice %arg9[%add3A_100, %dma_wait3A_115] : memref<10240x128xf32, #tpu.memory_space<vmem_shared>> -> memref<128x128xf32, #tpu.memory_space<vmem_shared>>
      %dma_wait3A_117 = arith.constant 0 : i32
      %dma_wait3A_118 = tpu.memref_slice %arg9[%add3A_100, %dma_wait3A_117] : memref<10240x128xf32, #tpu.memory_space<vmem_shared>> -> memref<128x128xf32, #tpu.memory_space<vmem_shared>>
      tpu.wait_dma2 semaphore(%run_scoped3A : memref<!tpu.dma_semaphore, #tpu.memory_space<semaphore_mem>>) src(%dma_wait3A_118 : memref<128x128xf32, #tpu.memory_space<vmem_shared>>) dst(%arg14 : memref<128x128xf32, #tpu.memory_space<vmem>>)
      tpu.yield
    }) : () -> ()
    %add3A_101 = arith.constant 256 : i32
    %add3A_102 = arith.addi %add3A, %add3A_101 : i32
    "tpu.region"() ({
      %run_scoped3A = tpu.sem_alloc : memref<!tpu.dma_semaphore, #tpu.memory_space<semaphore_mem>>
      %dma_start3A_111 = arith.constant 0 : i32
      %dma_start3A_112 = tpu.memref_slice %arg8[%add3A_102, %dma_start3A_111] : memref<20480x128xf32, #tpu.memory_space<hbm>> -> memref<128x128xf32, #tpu.memory_space<hbm>>
      %dma_start3A_113 = arith.constant 0 : i32
      %dma_start3A_114 = tpu.memref_slice %arg8[%add3A_102, %dma_start3A_113] : memref<20480x128xf32, #tpu.memory_space<hbm>> -> memref<128x128xf32, #tpu.memory_space<hbm>>
      tpu.enqueue_dma source(%arg14 : memref<128x128xf32, #tpu.memory_space<vmem>>) target(%dma_start3A_114 : memref<128x128xf32, #tpu.memory_space<hbm>>) target_semaphore(%run_scoped3A : memref<!tpu.dma_semaphore, #tpu.memory_space<semaphore_mem>>)
      %dma_wait3A_115 = arith.constant 0 : i32
      %dma_wait3A_116 = tpu.memref_slice %arg8[%add3A_102, %dma_wait3A_115] : memref<20480x128xf32, #tpu.memory_space<hbm>> -> memref<128x128xf32, #tpu.memory_space<hbm>>
      %dma_wait3A_117 = arith.constant 0 : i32
      %dma_wait3A_118 = tpu.memref_slice %arg8[%add3A_102, %dma_wait3A_117] : memref<20480x128xf32, #tpu.memory_space<hbm>> -> memref<128x128xf32, #tpu.memory_space<hbm>>
      tpu.wait_dma2 semaphore(%run_scoped3A : memref<!tpu.dma_semaphore, #tpu.memory_space<semaphore_mem>>) src(%arg14 : memref<128x128xf32, #tpu.memory_space<vmem>>) dst(%dma_wait3A_118 : memref<128x128xf32, #tpu.memory_space<hbm>>)
      tpu.yield
    }) : () -> ()
    %add3A_103 = arith.constant 384 : i32
    %add3A_104 = arith.addi %mul3A_0, %add3A_103 : i32
    "tpu.region"() ({
      %run_scoped3A = tpu.sem_alloc : memref<!tpu.dma_semaphore, #tpu.memory_space<semaphore_mem>>
      %dma_start3A_111 = arith.constant 0 : i32
      %dma_start3A_112 = tpu.memref_slice %arg9[%add3A_104, %dma_start3A_111] : memref<10240x128xf32, #tpu.memory_space<vmem_shared>> -> memref<128x128xf32, #tpu.memory_space<vmem_shared>>
      %dma_start3A_113 = arith.constant 0 : i32
      %dma_start3A_114 = tpu.memref_slice %arg9[%add3A_104, %dma_start3A_113] : memref<10240x128xf32, #tpu.memory_space<vmem_shared>> -> memref<128x128xf32, #tpu.memory_space<vmem_shared>>
      tpu.enqueue_dma source(%dma_start3A_114 : memref<128x128xf32, #tpu.memory_space<vmem_shared>>) target(%arg14 : memref<128x128xf32, #tpu.memory_space<vmem>>) target_semaphore(%run_scoped3A : memref<!tpu.dma_semaphore, #tpu.memory_space<semaphore_mem>>)
      %dma_wait3A_115 = arith.constant 0 : i32
      %dma_wait3A_116 = tpu.memref_slice %arg9[%add3A_104, %dma_wait3A_115] : memref<10240x128xf32, #tpu.memory_space<vmem_shared>> -> memref<128x128xf32, #tpu.memory_space<vmem_shared>>
      %dma_wait3A_117 = arith.constant 0 : i32
      %dma_wait3A_118 = tpu.memref_slice %arg9[%add3A_104, %dma_wait3A_117] : memref<10240x128xf32, #tpu.memory_space<vmem_shared>> -> memref<128x128xf32, #tpu.memory_space<vmem_shared>>
      tpu.wait_dma2 semaphore(%run_scoped3A : memref<!tpu.dma_semaphore, #tpu.memory_space<semaphore_mem>>) src(%dma_wait3A_118 : memref<128x128xf32, #tpu.memory_space<vmem_shared>>) dst(%arg14 : memref<128x128xf32, #tpu.memory_space<vmem>>)
      tpu.yield
    }) : () -> ()
    %add3A_105 = arith.constant 384 : i32
    %add3A_106 = arith.addi %add3A, %add3A_105 : i32
    "tpu.region"() ({
      %run_scoped3A = tpu.sem_alloc : memref<!tpu.dma_semaphore, #tpu.memory_space<semaphore_mem>>
      %dma_start3A_111 = arith.constant 0 : i32
      %dma_start3A_112 = tpu.memref_slice %arg8[%add3A_106, %dma_start3A_111] : memref<20480x128xf32, #tpu.memory_space<hbm>> -> memref<128x128xf32, #tpu.memory_space<hbm>>
      %dma_start3A_113 = arith.constant 0 : i32
      %dma_start3A_114 = tpu.memref_slice %arg8[%add3A_106, %dma_start3A_113] : memref<20480x128xf32, #tpu.memory_space<hbm>> -> memref<128x128xf32, #tpu.memory_space<hbm>>
      tpu.enqueue_dma source(%arg14 : memref<128x128xf32, #tpu.memory_space<vmem>>) target(%dma_start3A_114 : memref<128x128xf32, #tpu.memory_space<hbm>>) target_semaphore(%run_scoped3A : memref<!tpu.dma_semaphore, #tpu.memory_space<semaphore_mem>>)
      %dma_wait3A_115 = arith.constant 0 : i32
      %dma_wait3A_116 = tpu.memref_slice %arg8[%add3A_106, %dma_wait3A_115] : memref<20480x128xf32, #tpu.memory_space<hbm>> -> memref<128x128xf32, #tpu.memory_space<hbm>>
      %dma_wait3A_117 = arith.constant 0 : i32
      %dma_wait3A_118 = tpu.memref_slice %arg8[%add3A_106, %dma_wait3A_117] : memref<20480x128xf32, #tpu.memory_space<hbm>> -> memref<128x128xf32, #tpu.memory_space<hbm>>
      tpu.wait_dma2 semaphore(%run_scoped3A : memref<!tpu.dma_semaphore, #tpu.memory_space<semaphore_mem>>) src(%arg14 : memref<128x128xf32, #tpu.memory_space<vmem>>) dst(%dma_wait3A_118 : memref<128x128xf32, #tpu.memory_space<hbm>>)
      tpu.yield
    }) : () -> ()
    %add3A_107 = arith.constant 512 : i32
    %add3A_108 = arith.addi %mul3A_0, %add3A_107 : i32
    "tpu.region"() ({
      %run_scoped3A = tpu.sem_alloc : memref<!tpu.dma_semaphore, #tpu.memory_space<semaphore_mem>>
      %dma_start3A_111 = arith.constant 0 : i32
      %dma_start3A_112 = tpu.memref_slice %arg9[%add3A_108, %dma_start3A_111] : memref<10240x128xf32, #tpu.memory_space<vmem_shared>> -> memref<128x128xf32, #tpu.memory_space<vmem_shared>>
      %dma_start3A_113 = arith.constant 0 : i32
      %dma_start3A_114 = tpu.memref_slice %arg9[%add3A_108, %dma_start3A_113] : memref<10240x128xf32, #tpu.memory_space<vmem_shared>> -> memref<128x128xf32, #tpu.memory_space<vmem_shared>>
      tpu.enqueue_dma source(%dma_start3A_114 : memref<128x128xf32, #tpu.memory_space<vmem_shared>>) target(%arg14 : memref<128x128xf32, #tpu.memory_space<vmem>>) target_semaphore(%run_scoped3A : memref<!tpu.dma_semaphore, #tpu.memory_space<semaphore_mem>>)
      %dma_wait3A_115 = arith.constant 0 : i32
      %dma_wait3A_116 = tpu.memref_slice %arg9[%add3A_108, %dma_wait3A_115] : memref<10240x128xf32, #tpu.memory_space<vmem_shared>> -> memref<128x128xf32, #tpu.memory_space<vmem_shared>>
      %dma_wait3A_117 = arith.constant 0 : i32
      %dma_wait3A_118 = tpu.memref_slice %arg9[%add3A_108, %dma_wait3A_117] : memref<10240x128xf32, #tpu.memory_space<vmem_shared>> -> memref<128x128xf32, #tpu.memory_space<vmem_shared>>
      tpu.wait_dma2 semaphore(%run_scoped3A : memref<!tpu.dma_semaphore, #tpu.memory_space<semaphore_mem>>) src(%dma_wait3A_118 : memref<128x128xf32, #tpu.memory_space<vmem_shared>>) dst(%arg14 : memref<128x128xf32, #tpu.memory_space<vmem>>)
      tpu.yield
    }) : () -> ()
    %add3A_109 = arith.constant 512 : i32
    %add3A_110 = arith.addi %add3A, %add3A_109 : i32
    "tpu.region"() ({
      %run_scoped3A = tpu.sem_alloc : memref<!tpu.dma_semaphore, #tpu.memory_space<semaphore_mem>>
      %dma_start3A_111 = arith.constant 0 : i32
      %dma_start3A_112 = tpu.memref_slice %arg8[%add3A_110, %dma_start3A_111] : memref<20480x128xf32, #tpu.memory_space<hbm>> -> memref<128x128xf32, #tpu.memory_space<hbm>>
      %dma_start3A_113 = arith.constant 0 : i32
      %dma_start3A_114 = tpu.memref_slice %arg8[%add3A_110, %dma_start3A_113] : memref<20480x128xf32, #tpu.memory_space<hbm>> -> memref<128x128xf32, #tpu.memory_space<hbm>>
      tpu.enqueue_dma source(%arg14 : memref<128x128xf32, #tpu.memory_space<vmem>>) target(%dma_start3A_114 : memref<128x128xf32, #tpu.memory_space<hbm>>) target_semaphore(%run_scoped3A : memref<!tpu.dma_semaphore, #tpu.memory_space<semaphore_mem>>)
      %dma_wait3A_115 = arith.constant 0 : i32
      %dma_wait3A_116 = tpu.memref_slice %arg8[%add3A_110, %dma_wait3A_115] : memref<20480x128xf32, #tpu.memory_space<hbm>> -> memref<128x128xf32, #tpu.memory_space<hbm>>
      %dma_wait3A_117 = arith.constant 0 : i32
      %dma_wait3A_118 = tpu.memref_slice %arg8[%add3A_110, %dma_wait3A_117] : memref<20480x128xf32, #tpu.memory_space<hbm>> -> memref<128x128xf32, #tpu.memory_space<hbm>>
      tpu.wait_dma2 semaphore(%run_scoped3A : memref<!tpu.dma_semaphore, #tpu.memory_space<semaphore_mem>>) src(%arg14 : memref<128x128xf32, #tpu.memory_space<vmem>>) dst(%dma_wait3A_118 : memref<128x128xf32, #tpu.memory_space<hbm>>)
      tpu.yield
    }) : () -> ()
    return
  }
}

module attributes {stable_mosaic.version = 14 : i64} {
  func.func @_tc_body(%arg0: i32, %arg1: memref<200x128xf32, #tpu.memory_space<vmem>>, %arg2: memref<1x200x128xf32, #tpu.memory_space<vmem>>, %arg3: memref<1x200x128xf32, #tpu.memory_space<vmem>>, %arg4: memref<1x200x128xf32, #tpu.memory_space<vmem>>, %arg5: memref<1x200x128xf32, #tpu.memory_space<vmem>>, %arg6: memref<256x128xf32, #tpu.memory_space<vmem>>, %arg7: memref<1x128xf32, #tpu.memory_space<vmem>>, %arg8: memref<200x128xf32, #tpu.memory_space<vmem>>) attributes {dimension_semantics = [#tpu.dimension_semantics<arbitrary>], iteration_bounds = array<i64: 50>, scalar_prefetch = 0 : i64, scratch_operands = 0 : i64, tpu.core_type = #tpu.core_type<tc>, window_params = [{transform_indices = @transform_0, window_bounds = array<i64: 200, 128>}, {transform_indices = @transform_1, window_bounds = array<i64: 1, 200, 128>}, {transform_indices = @transform_2, window_bounds = array<i64: 1, 200, 128>}, {transform_indices = @transform_3, window_bounds = array<i64: 1, 200, 128>}, {transform_indices = @transform_4, window_bounds = array<i64: 1, 200, 128>}, {pipeline_mode = #tpu.pipeline_mode<synchronous>, transform_indices = @transform_5, window_bounds = array<i64: 256, 128>}, {pipeline_mode = #tpu.pipeline_mode<synchronous>, transform_indices = @transform_6, window_bounds = array<i64: 1, 128>}, {transform_indices = @transform_7, window_bounds = array<i64: 200, 128>}]} {
    %get3A = arith.constant 0 : index
    %get3A_0 = arith.constant 0 : index
    %get3A_1 = vector.load %arg1[%get3A, %get3A_0] : memref<200x128xf32, #tpu.memory_space<vmem>>, vector<200x128xf32>
    %get3A_2 = arith.constant 0 : index
    %get3A_3 = arith.constant 0 : index
    %get3A_4 = arith.constant 0 : index
    %get3A_5 = vector.load %arg2[%get3A_2, %get3A_3, %get3A_4] : memref<1x200x128xf32, #tpu.memory_space<vmem>>, vector<1x200x128xf32>
    %get3A_6 = vector.shape_cast %get3A_5 : vector<1x200x128xf32> to vector<200x128xf32>
    %get3A_7 = arith.constant 0 : index
    %get3A_8 = arith.constant 0 : index
    %get3A_9 = arith.constant 0 : index
    %get3A_10 = vector.load %arg3[%get3A_7, %get3A_8, %get3A_9] : memref<1x200x128xf32, #tpu.memory_space<vmem>>, vector<1x200x128xf32>
    %get3A_11 = vector.shape_cast %get3A_10 : vector<1x200x128xf32> to vector<200x128xf32>
    %add3A = arith.addf %get3A_6, %get3A_11 : vector<200x128xf32>
    %get3A_12 = arith.constant 0 : index
    %get3A_13 = arith.constant 0 : index
    %get3A_14 = arith.constant 0 : index
    %get3A_15 = vector.load %arg4[%get3A_12, %get3A_13, %get3A_14] : memref<1x200x128xf32, #tpu.memory_space<vmem>>, vector<1x200x128xf32>
    %get3A_16 = vector.shape_cast %get3A_15 : vector<1x200x128xf32> to vector<200x128xf32>
    %slice3A = vector.extract_strided_slice %get3A_16 {offsets = [0, 0], sizes = [200, 1], strides = [1, 1]} : vector<200x128xf32> to vector<200x1xf32>
    %get3A_17 = arith.constant 0 : index
    %get3A_18 = arith.constant 0 : index
    %get3A_19 = arith.constant 0 : index
    %get3A_20 = vector.load %arg5[%get3A_17, %get3A_18, %get3A_19] : memref<1x200x128xf32, #tpu.memory_space<vmem>>, vector<1x200x128xf32>
    %get3A_21 = vector.shape_cast %get3A_20 : vector<1x200x128xf32> to vector<200x128xf32>
    %slice3A_22 = vector.extract_strided_slice %get3A_21 {offsets = [0, 0], sizes = [200, 1], strides = [1, 1]} : vector<200x128xf32> to vector<200x1xf32>
    %add3A_23 = arith.addf %slice3A, %slice3A_22 : vector<200x1xf32>
    %max3A = arith.constant 1.000000e+00 : f32
    %max3A_24 = vector.broadcast %max3A : f32 to vector<200x1xf32>
    %max3A_25 = arith.maximumf %add3A_23, %max3A_24 : vector<200x1xf32>
    %div3A = vector.broadcast %max3A_25 : vector<200x1xf32> to vector<200x128xf32>
    %div3A_26 = arith.divf %add3A, %div3A : vector<200x128xf32>
    %get3A_27 = arith.constant 0 : index
    %get3A_28 = arith.constant 0 : index
    %get3A_29 = vector.load %arg6[%get3A_27, %get3A_28] : memref<256x128xf32, #tpu.memory_space<vmem>>, vector<128x128xf32>
    %dot_general3A = arith.constant dense<0.000000e+00> : vector<200x128xf32>
    %dot_general3A_30 = tpu.matmul %get3A_1, %get3A_29, %dot_general3A {dimension_numbers = #tpu.dot_dimension_numbers<[1], [0], [0], [1], [0, 0, 1, 1], [], []>, transpose_lhs_hint = false} : vector<200x128xf32>, vector<128x128xf32>, vector<200x128xf32> -> vector<200x128xf32>
    %get3A_31 = arith.constant 128 : index
    %get3A_32 = arith.constant 0 : index
    %get3A_33 = vector.load %arg6[%get3A_31, %get3A_32] : memref<256x128xf32, #tpu.memory_space<vmem>>, vector<128x128xf32>
    %dot_general3A_34 = arith.constant dense<0.000000e+00> : vector<200x128xf32>
    %dot_general3A_35 = tpu.matmul %div3A_26, %get3A_33, %dot_general3A_34 {dimension_numbers = #tpu.dot_dimension_numbers<[1], [0], [0], [1], [0, 0, 1, 1], [], []>, transpose_lhs_hint = false} : vector<200x128xf32>, vector<128x128xf32>, vector<200x128xf32> -> vector<200x128xf32>
    %add3A_36 = arith.addf %dot_general3A_30, %dot_general3A_35 : vector<200x128xf32>
    %get3A_37 = arith.constant 0 : index
    %get3A_38 = arith.constant 0 : index
    %get3A_39 = vector.load %arg7[%get3A_37, %get3A_38] : memref<1x128xf32, #tpu.memory_space<vmem>>, vector<1x128xf32>
    %add3A_40 = vector.broadcast %get3A_39 : vector<1x128xf32> to vector<200x128xf32>
    %add3A_41 = arith.addf %add3A_36, %add3A_40 : vector<200x128xf32>
    %max3A_42 = arith.constant 0.000000e+00 : f32
    %max3A_43 = vector.broadcast %max3A_42 : f32 to vector<200x128xf32>
    %max3A_44 = arith.maximumf %add3A_41, %max3A_43 : vector<200x128xf32>
    %swap3A = arith.constant 0 : index
    %swap3A_45 = arith.constant 0 : index
    %swap3A_46 = vector.load %arg8[%swap3A, %swap3A_45] : memref<200x128xf32, #tpu.memory_space<vmem>>, vector<200x128xf32>
    tpu.vector_store %arg8[%swap3A, %swap3A_45], %max3A_44 {strides = array<i32>} : memref<200x128xf32, #tpu.memory_space<vmem>>, vector<200x128xf32>,
    return
  }
  func.func @transform_0(%arg0: i32) -> (i32, i32) {
    %c0_i32 = arith.constant 0 : i32
    %c0_i32_0 = arith.constant 0 : i32
    return %arg0, %c0_i32 : i32, i32
  }
  func.func @transform_1(%arg0: i32) -> (i32, i32, i32) {
    %c0_i32 = arith.constant 0 : i32
    %c0_i32_0 = arith.constant 0 : i32
    %c0_i32_1 = arith.constant 0 : i32
    return %c0_i32, %arg0, %c0_i32_0 : i32, i32, i32
  }
  func.func @transform_2(%arg0: i32) -> (i32, i32, i32) {
    %c1_i32 = arith.constant 1 : i32
    %c0_i32 = arith.constant 0 : i32
    %c0_i32_0 = arith.constant 0 : i32
    return %c1_i32, %arg0, %c0_i32 : i32, i32, i32
  }
  func.func @transform_3(%arg0: i32) -> (i32, i32, i32) {
    %c0_i32 = arith.constant 0 : i32
    %c0_i32_0 = arith.constant 0 : i32
    %c0_i32_1 = arith.constant 0 : i32
    return %c0_i32, %arg0, %c0_i32_0 : i32, i32, i32
  }
  func.func @transform_4(%arg0: i32) -> (i32, i32, i32) {
    %c1_i32 = arith.constant 1 : i32
    %c0_i32 = arith.constant 0 : i32
    %c0_i32_0 = arith.constant 0 : i32
    return %c1_i32, %arg0, %c0_i32 : i32, i32, i32
  }
  func.func @transform_5(%arg0: i32) -> (i32, i32) {
    %c0_i32 = arith.constant 0 : i32
    %c0_i32_0 = arith.constant 0 : i32
    %c0_i32_1 = arith.constant 0 : i32
    return %c0_i32, %c0_i32_0 : i32, i32
  }
  func.func @transform_6(%arg0: i32) -> (i32, i32) {
    %c0_i32 = arith.constant 0 : i32
    %c0_i32_0 = arith.constant 0 : i32
    %c0_i32_1 = arith.constant 0 : i32
    return %c0_i32, %c0_i32_0 : i32, i32
  }
  func.func @transform_7(%arg0: i32) -> (i32, i32) {
    %c0_i32 = arith.constant 0 : i32
    %c0_i32_0 = arith.constant 0 : i32
    return %arg0, %c0_i32 : i32, i32
  }
}

</mosaic_0001>

<sc_bundles>
// kernel: kernel.4.cloned.1.call-start
scs
__scs_entry_jumppad:
0x0: {  	(pc) =	sbr.rel $0x88, $3  }
0x1: {  	(tag) =	ssettag $0x0;
	lr =	simm.s32 $0x1  }
0x2: {  	[smem:$0x3F9D] =	sst lr;
	_ =	strace $0xD0000000  }
0x3: {  	_ = 	snop  }
0x4: {  	_ = 	snop  }
0x5: {  	_ = 	snop  }
0x6: {  	_ = 	snop  }
0x7: {  	_ = 	snop  }
__scs_overlays_trampoline_lowered:
0x8: {  	[smem:$0x3FAC] =	sst s0  }
0x9: {  	[smem:$0x3FAD] =	sst s1  }
0xa: {  	[smem:$0x3FAE] =	sst s2  }
0xb: {  	[smem:$0x3FAF] =	sst s3  }
0xc: {  	[smem:$0x3FB0] =	sst s4  }
0xd: {  	[smem:$0x3FB1] =	sst s5  }
0xe: {  	[smem:$0x3FB2] =	sst s6  }
0xf: {  	[smem:$0x3FB3] =	sst s7  }
0x10: {  	[smem:$0x3FB4] =	sst s8  }
0x11: {  	[smem:$0x3FB5] =	sst s9;
	s0 =	simm.s32 @!p0 $0x0  }
0x12: {  	s1 =	sld [smem:$0x3F9B];
	s0 =	simm.s32 @p0 $0x1  }
0x13: {  	[smem:$0x3FB6] =	sst s0;
	s0 =	simm.s32 @!p1 $0x0  }
0x14: {  	s2 =	sld [smem:$0x3F9A];
	s0 =	simm.s32 @p1 $0x1  }
0x15: {  	[smem:$0x3FB7] =	sst s0;
	s0 =	simm.s32 @!p2 $0x0  }
0x16: {  	s3 =	sld [smem:$0x3FDB];
	s0 =	simm.s32 @p2 $0x1  }
0x17: {  	s4 =	simm.s32 $0x1BF5;
	[smem:$0x3FB9] =	sst s0  }
0x18: {  	s0 =	sld [smem:$0x3F9C];
	_ =	swait.ge [sflag:s4], $0x0  }
0x19: {  	s7 =	sld [smem:$0x3F9D]  }
0x1a: {  	s8 =	sadd.s32 $0xFFFFE003, lr  }
0x1b: {  	s9 =	sadd.s32 $0xFFFFFEF7, lr;
	s5 =	simm.s32 $0xFFFFFFFF;
	p2 =	slt.u32 s8, $0xFFFFF086  }
0x1c: {  	p1 =	slt.u32 s9, $0xF7A;
	s5 =	simm.s32 @!p2 $0x0  }
0x1d: {  	s5 =	simm.s32 @p1 $0x1;
	p0 =	seq.s32 s7, s2  }
0x1e: {  	s7 =	smul.u32 @!p0 $0xF7A, s2;
	p2 =	seq.s32 @!p0 s5, $0x0  }
0x1f: {  	s9 =	smul.u32 $0xF7A, s1;
	s8 =	simm.s32 @!p0 $0x1BF5;
	p2 =	por !p2, p0  }
0x20: {  	[sflag:s8] =	ssyncset.s32 @!p0 $0xFFFFF086;
	s6 =	sadd.s32 @!p0 s3, s7;
	s7 =	simm.s32 @!p0 $0x108  }
0x21: {  	s3 =	sadd.s32 s3, s9;
	s6 =	sadd.s32 @!p0 $0x88, s6;
	s7 =	simm.s32 @p2 $0x1082  }
0x22: {  	[simem:s7], [sflag:s8] =	dma.local @!p0 [hbm:s6], $0xF7A  }
0x23: {  	s9 =	sor.u32 $0xD0000000, s2;
	s6 =	simm.s32 $0x108;
	_ =	swait.ge @!p0 [sflag:s8], $0x0  }
0x24: {  	s3 =	sadd.s32 $0x88, s3;
	s6 =	simm.s32 @!p1 $0x1082;
	[sflag:s4] =	ssyncset.s32 $0xFFFFF086  }
0x25: {  	[simem:s6], [sflag:s4] =	dma.local [hbm:s3], $0xF7A  }
0x26: {  	[smem:$0x3F9D] =	sst s1;
	(tag) =	ssettag s2;
	_ =	strace s9  }
0x27: {  	s1 =	sld [smem:$0x3FAD]  }
0x28: {  	s2 =	sld [smem:$0x3FAE]  }
0x29: {  	s4 =	sld [smem:$0x3FB0]  }
0x2a: {  	p0 =	seq.s32 s5, $0x0;
	s5 =	sld [smem:$0x3FB1]  }
0x2b: {  	s6 =	sld [smem:$0x3FB2]  }
0x2c: {  	s7 =	sld [smem:$0x3FB3]  }
0x2d: {  	s3 =	simm.s32 $0x108;
	s8 =	sld [smem:$0x3FB4]  }
0x2e: {  	s3 =	simm.s32 @!p0 $0x1082;
	s9 =	sld [smem:$0x3FB5]  }
0x2f: {  	lr =	sadd.s32 s0, s3;
	s0 =	sld [smem:$0x3FAC]  }
0x30: {  	s3 =	sld [smem:$0x3FAF]  }
0x31: {  	[smem:$0x3FB8] =	sst s10  }
0x32: {  	s10 =	sld [smem:$0x3FB6];
	_ =	sdelay $0x3  }
0x33: {  	p0 =	seq.s32 s10, $0x1;
	s10 =	sld [smem:$0x3FB8];
	_ =	sdelay $0x3  }
0x34: {  	[smem:$0x3FB8] =	sst s10  }
0x35: {  	s10 =	sld [smem:$0x3FB7];
	_ =	sdelay $0x3  }
0x36: {  	p1 =	seq.s32 s10, $0x1;
	s10 =	sld [smem:$0x3FB8];
	_ =	sdelay $0x3  }
0x37: {  	[smem:$0x3FB8] =	sst s10  }
0x38: {  	s10 =	sld [smem:$0x3FB9]  }
0x39: {  	_ = 	snop;
	(pc) =	sbr.ind lr, $3  }
0x3a: {  	_ = 	snop  }
0x3b: {  	_ = 	snop  }
0x3c: {  	p2 =	seq.s32 s10, $0x1;
	s10 =	sld [smem:$0x3FB8]  }
0x3d: {  	_ =	shalt  }
0x3e: {  	_ =	shalt  }
0x3f: {  	_ =	shalt  }
0x40: {  	_ =	shalt  }
0x41: {  	_ =	shalt  }
0x42: {  	_ =	shalt  }
0x43: {  	_ =	shalt  }
0x44: {  	_ =	shalt  }
0x45: {  	_ =	shalt  }
0x46: {  	_ =	shalt  }
0x47: {  	_ =	shalt  }
0x48: {  	_ =	shalt  }
0x49: {  	_ =	shalt  }
0x4a: {  	_ =	shalt  }
0x4b: {  	_ =	shalt  }
0x4c: {  	_ =	shalt  }
0x4d: {  	_ =	shalt  }
0x4e: {  	_ =	shalt  }
0x4f: {  	_ =	shalt  }
0x50: {  	_ =	shalt  }
0x51: {  	_ =	shalt  }
0x52: {  	_ =	shalt  }
0x53: {  	_ =	shalt  }
0x54: {  	_ =	shalt  }
0x55: {  	_ =	shalt  }
0x56: {  	_ =	shalt  }
0x57: {  	_ =	shalt  }
0x58: {  	_ =	shalt  }
0x59: {  	_ =	shalt  }
0x5a: {  	_ =	shalt  }
0x5b: {  	_ =	shalt  }
0x5c: {  	_ =	shalt  }
0x5d: {  	_ =	shalt  }
0x5e: {  	_ =	shalt  }
0x5f: {  	_ =	shalt  }
0x60: {  	_ =	shalt  }
0x61: {  	_ =	shalt  }
0x62: {  	_ =	shalt  }
0x63: {  	_ =	shalt  }
0x64: {  	_ =	shalt  }
0x65: {  	_ =	shalt  }
0x66: {  	_ =	shalt  }
0x67: {  	_ =	shalt  }
0x68: {  	_ =	shalt  }
0x69: {  	_ =	shalt  }
0x6a: {  	_ =	shalt  }
0x6b: {  	_ =	shalt  }
0x6c: {  	_ =	shalt  }
0x6d: {  	_ =	shalt  }
0x6e: {  	_ =	shalt  }
0x6f: {  	_ =	shalt  }
0x70: {  	_ =	shalt  }
0x71: {  	_ =	shalt  }
0x72: {  	_ =	shalt  }
0x73: {  	_ =	shalt  }
0x74: {  	_ =	shalt  }
0x75: {  	_ =	shalt  }
0x76: {  	_ =	shalt  }
0x77: {  	_ =	shalt  }
0x78: {  	_ =	shalt  }
0x79: {  	_ =	shalt  }
0x7a: {  	_ =	shalt  }
0x7b: {  	_ =	shalt  }
0x7c: {  	_ =	shalt  }
0x7d: {  	_ =	shalt  }
0x7e: {  	_ =	shalt  }
0x7f: {  	_ =	shalt  }
0x80: {  	_ =	shalt  }
0x81: {  	_ =	shalt  }
0x82: {  	_ =	shalt  }
0x83: {  	_ =	shalt  }
0x84: {  	_ =	shalt  }
0x85: {  	_ =	shalt  }
0x86: {  	_ =	shalt  }
0x87: {  	_ =	shalt  }
.Lfunc_end0:
.L_simem_size_0:
called_computation_lowered:
.L_overlay_start_0:
0x88: {  	s2 =	sld [smem:$0x3FD9]  }
0x89: {  	s3 =	sld [smem:$0x3FFE];
	_ =	sdelay $0x1  }
0x8a: {  	s1 =	srdreg.scid  }
0x8b: {  	s0 =	sand.u32 $0x1, s1  }
0x8c: {  	s17 =	sshll.u32 s0, $0xA;
	s2 =	sadd.s32 s3, s2  }
0x8d: {  	s2 =	sadd.s32 s2, s17  }
0x8e: {  	[smem:$0x3FC4] =	sst s2  }
0x8f: {  	_ = 	snop  }
0x90: {  	s2 =	sld [smem:$0x3FC9]  }
0x91: {  	s18 =	sld [smem:$0x3FD0];
	(tm) =	ssettm $0x1  }
0x92: {  	s4 =	sld [smem:$0x3FFB];
	_ =	sdelay $0x3  }
0x93: {  	_ =	strace s4  }
0x94: {  	s4 =	sld [smem:$0x3FFC];
	_ =	sdelay $0x3  }
0x95: {  	_ =	strace s4  }
0x96: {  	s4 =	sld [smem:$0x3FFD];
	_ =	sdelay $0x3  }
0x97: {  	_ =	strace s4  }
0x98: {  	_ =	strace $0x8FFFFFFF  }
0x99: {  	s19 =	sld [smem:$0x3FDB];
	_ =	sdelay $0x1  }
0x9a: {  	s5 =	simm.s32 $_scs_section_size  }
0x9b: {  	s6 =	simm.s32 $_size__tile_overlayer_lowered;
	s7 =	simm.s32 $_tile_overlayer_lowered  }
0x9c: {  	s22 =	simm.s32 $0x1BFF;
	s21 =	sshll.u32 s7, $0x1;
	s4 =	sadd.s32 s5, s19  }
0x9d: {  	s8 =	simm.s32 $0x0;
	s20 =	sshll.u32 s6, $0x1;
	s6 =	sadd.s32 s21, s4  }
0x9e: {  	[timem:s8], [sflag:s22] =	dma.local [hbm:s6], s20  }
0x9f: {  	_ =	swait.ge [sflag:s22], s20  }
0xa0: {  	s5 =	ssub.s32 $0x0, s20;
	[sflag:s22] =	ssyncset.done $0x0  }
0xa1: {  	[sflag:s22] =	ssyncadd.s32 s5;
	_ =	sdelay $0x1  }
0xa2: {  	s23 =	simm.s32 $0x1B8B  }
0xa3: {  	_ =	swait.ge [sflag:s23], $0x1  }
0xa4: {  	[sflag:s23] =	ssyncset.done $0x0  }
0xa5: {  	s25 =	simm.s32 $0x1B8E;
	s24 =	sld [smem:$0x3FFE];
	[sflag:s23] =	ssyncadd.s32 $0xFFFFFFFF  }
0xa6: {  	s26 =	simm.s32 $execute0_lowered;
	[smem:$0x3FD2] =	sst s25  }
0xa7: {  	s6 =	sshll.u32 s26, $0x1;
	_ =	strace $0x80000046;
	[dreg:$0x1] =	wrdreg $0xFFFFFFFF  }
0xa8: {  	s28 =	simm.s32 $_size_execute0_lowered;
	s4 =	sadd.s32 s4, s6;
	[dreg:$0x0] =	wrdreg $0x0  }
0xa9: {  	s6 =	sshll.u32 s28, $0x1;
	[dreg:$0x2] =	wrdreg s4  }
0xaa: {  	[dreg:$0x3] =	wrdreg s6  }
0xab: {  	[dreg:$0x4] =	wrdreg $0xC0  }
0xac: {  	_ =	task [dreg:s8], $0x5FFFF  }
0xad: {  	[dreg:$0x1] =	wrdreg $0xFFFFFFFF  }
0xae: {  	[dreg:$0x0] =	wrdreg $0x60  }
0xaf: {  	[dreg:$0x2] =	wrdreg s2  }
0xb0: {  	[dreg:$0x3] =	wrdreg s24  }
0xb1: {  	[dreg:$0x4] =	wrdreg s18  }
0xb2: {  	[dreg:$0x5] =	wrdreg $0x0  }
0xb3: {  	[dreg:$0x6] =	wrdreg $0x9  }
0xb4: {  	_ =	task.clear_ibuf [dreg:s8], $0x7FFFF;
	_ =	strace $0x90000046  }
0xb5: {  	s29 =	simm.s32 $0x9;
	_ =	strace $0x80000048  }
0xb6: {  	_ =	swait.ge [sflag:s29], $0x1  }
0xb7: {  	[sflag:s29] =	ssyncadd.s32 $0xFFFFFFFF  }
0xb8: {  	_ =	strace $0x90000048  }
0xb9: {  	_ =	sfence  }
0xba: {  	s30 =	sld [smem:$0x0];
	_ =	sdelay $0x2  }
0xbb: {  	s31 =	sshll.u32 s1, $0xD;
	s1 =	sshrl.u32 s1, $0x2  }
0xbc: {  	s3 =	sand.u32 $0x4000, s31;
	s1 =	sadd.s32 s1, s30  }
0xbd: {  	s0 =	sor.u32 s3, s0;
	s1 =	sshll.u32 s1, $0x11  }
0xbe: {  	s0 =	sor.u32 s1, s0  }
0xbf: {  	s0 =	sadd.s32 $0x8F2B, s0  }
0xc0: {  	[sflag:s0] =	ssyncadd.remote.s32 $0x1  }
0xc1: {  	_ =	sfence.sel $0xFFFF  }
0xc2: {  	[dreg:$0x0] =	wrdreg $0xFFFFFFFF;
	(pc) =	sbr.abs _section_cstart, $3  }
0xc3: {  	[dreg:$0x1] =	wrdreg $0xFFFFFFFF  }
0xc4: {  	_ =	task.clear_ibuf [dreg:s8], $0x2FFFF;
	_ =	strace $0x9FFFFFFF  }
0xc5: {  	(tm) =	ssettm $0x7FFFFFFF  }
tec
execute0_lowered:
.L_overlay_start_1:
0x0: {  	(tag) =	ssettag $0x1  }
0x1: {  	s1 =	rddreg [dreg:$0x0]  }
0x2: {  	s0 =	rddreg [dreg:$0x1]  }
0x3: {  	s2 =	rddreg [dreg:$0x2]  }
0x4: {  	s4 =	rddreg [dreg:$0x3]  }
0x5: {  	s5 =	simm.s32 $0x0;
	s3 =	srdreg.scid;
	s13 =	stileid.u32  }
0x6: {  	[smem:$0x7FF] =	sst s5;
	s7 =	smul.u32 $0x280, s13  }
0x7: {  	s3 =	sand.u32 $0x1, s3;
	s6 =	sadd.s32 $0xE00, s0;
	s11 =	smul.u32 $0x2710, s13  }
0x8: {  	s24 =	sadd.s32 $0xB400, s0;
	s30 =	sadd.s32 $0xAC00, s0;
	s8 =	smul.u32 $0x2800, s3  }
0x9: {  	s10 =	sadd.s32 $0xBC00, s0;
	s0 =	sadd.s32 $0x5BC00, s0;
	s9 =	smul.u32 $0x27100, s3  }
0xa: {  	s13 =	smul.u32 $0x50000, s13;
	_ =	strace $0x80000047;
	s3 =	ssub.s32 $0x2, s3  }
0xb: {  	s12 =	sshrl.u32 s3, $0x1;
	s7 =	sadd.s32 s7, s8;
	s8 =	sadd.s32 s11, s9  }
0xc: {  	s18 =	sshrl.u32 s13, $0x2;
	s3 =	ssub.s32 s3, s12;
	s11 =	sshrl.u32 s8, $0x3  }
0xd: {  	s7 =	sshll.u32 s7, $0x4;
	s3 =	smax.u32 s3, $0x1;
	s19 =	sadd.s32 s6, s11  }
0xe: {  	s20 =	sadd.s32 $0x800, s7;
	s21 =	sadd.s32 s10, s7;
	[dreg:$0x15] =	wrdreg s3  }
0xf: {  	s23 =	sadd.s32 $0x1000, s7;
	s14 =	sadd.s32 $0x1800, s7;
	[dreg:$0x5] =	wrdreg s19  }
0x10: {  	s15 =	sadd.s32 $0x2000, s7;
	s7 =	sadd.s32 s0, s7;
	[dreg:$0x7] =	wrdreg s21  }
0x11: {  	s13 =	simm.s32 $0x3;
	s25 =	sadd.s32 s2, s11;
	[dreg:$0xc] =	wrdreg s7  }
0x12: {  	s9 =	sadd.s32 s18, s4;
	s22 =	sadd.s32 s10, s20;
	[dreg:$0x6] =	wrdreg s25  }
0x13: {  	s31 =	sadd.s32 $0x4000, s9;
	s16 =	sadd.s32 s10, s23;
	[dreg:$0x8] =	wrdreg s22  }
0x14: {  	s18 =	sadd.s32 $0x10, s11;
	s26 =	sadd.s32 s10, s14;
	[dreg:$0x9] =	wrdreg s16  }
0x15: {  	s3 =	sadd.s32 $0xC000, s9;
	s10 =	sadd.s32 s10, s15;
	[dreg:$0xa] =	wrdreg s26  }
0x16: {  	s12 =	sadd.s32 s0, s20;
	s17 =	sadd.s32 s0, s14;
	[dreg:$0xb] =	wrdreg s10  }
0x17: {  	s19 =	sadd.s32 $0x4E0, s11;
	s20 =	sadd.s32 s6, s18;
	[dreg:$0xd] =	wrdreg s12  }
0x18: {  	s21 =	sadd.s32 $0x180, s8;
	s14 =	simm.s32 $0x14000;
	[dreg:$0xf] =	wrdreg s17  }
0x19: {  	s16 =	sadd.s32 s0, s23;
	s0 =	sadd.s32 s0, s15;
	[dreg:$0x11] =	wrdreg s20  }
0x1a: {  	s22 =	sshrl.u32 s21, $0x3;
	s23 =	sadd.s32 s6, s19;
	s7 =	sadd.s32 s2, s19  }
0x1b: {  	s26 =	sadd.s32 $0x100, s8;
	s10 =	sadd.s32 $0x10000, s9;
	s12 =	simm.s32 $0x14200  }
0x1c: {  	s15 =	simm.s32 $0x14080;
	s17 =	simm.s32 $0x14100;
	[dreg:$0xe] =	wrdreg s16  }
0x1d: {  	s19 =	simm.s32 $0x18200;
	s20 =	simm.s32 $0x1;
	[dreg:$0x10] =	wrdreg s0  }
0x1e: {  	s21 =	simm.s32 $0x2;
	s0 =	sadd.s32 s2, s18;
	[dreg:$0x13] =	wrdreg s23  }
0x1f: {  	[dreg:$0x14] =	wrdreg s7;
	s28 =	sadd.s32 s22, s2;
	s29 =	sadd.s32 s22, s6  }
0x20: {  	[dreg:$0x16] =	wrdreg s26;
	s16 =	simm.s32 $0x80;
	s18 =	simm.s32 $0x14180  }
0x21: {  	s26 =	simm.s32 $0x0;
	[dreg:$0x12] =	wrdreg s0;
	s0 =	sadd.s32 $0x8000, s9  }
.LBB2_1:
0x22: {  	[tilespmem:s12], [sflag:$0x3] =	stream.linear.gather [hbm4b:s24+s5], $0x4000, $0x38;
	[tilespmem:$0x1CB00] =	vst v63  }
0x23: {  	_ =	swait.ge [sflag:s13], $0x4000  }
0x24: {  	[sflag:s13] =	ssyncset.done $0x0  }
0x25: {  	[sflag:s13] =	ssyncadd.s32 $0xFFFFC000  }
0x26: {  	[spmem:s9] =	stream.linear.scatter [tilespmem:s12], [sflag:$0x3], $0x4000, $0x38;
	[tilespmem:$0x1CB00] =	vst v63  }
0x27: {  	_ =	swait.ge [sflag:s13], $0x4000  }
0x28: {  	[sflag:s13] =	ssyncset.done $0x0  }
0x29: {  	[sflag:s13] =	ssyncadd.s32 $0xFFFFC000  }
0x2a: {  	[spmem:s31] =	stream.linear.scatter [tilespmem:s12], [sflag:$0x3], $0x4000, $0x38;
	[tilespmem:$0x1CB00] =	vst v63  }
0x2b: {  	_ =	swait.ge [sflag:s13], $0x4000  }
0x2c: {  	[sflag:s13] =	ssyncset.done $0x0  }
0x2d: {  	[sflag:s13] =	ssyncadd.s32 $0xFFFFC000  }
0x2e: {  	[spmem:s0] =	stream.linear.scatter [tilespmem:s12], [sflag:$0x3], $0x4000, $0x38;
	[tilespmem:$0x1CB00] =	vst v63  }
0x2f: {  	_ =	swait.ge [sflag:s13], $0x4000  }
0x30: {  	[sflag:s13] =	ssyncset.done $0x0  }
0x31: {  	[sflag:s13] =	ssyncadd.s32 $0xFFFFC000  }
0x32: {  	[spmem:s3] =	stream.linear.scatter [tilespmem:s12], [sflag:$0x3], $0x4000, $0x38;
	[tilespmem:$0x1CB00] =	vst v63  }
0x33: {  	_ =	swait.ge [sflag:s13], $0x4000  }
0x34: {  	[sflag:s13] =	ssyncset.done $0x0  }
0x35: {  	[sflag:s13] =	ssyncadd.s32 $0xFFFFC000  }
0x36: {  	[spmem:s10] =	stream.linear.scatter [tilespmem:s12], [sflag:$0x3], $0x4000, $0x38;
	[tilespmem:$0x1CB00] =	vst v63  }
0x37: {  	_ =	swait.ge [sflag:s13], $0x4000  }
0x38: {  	[sflag:s13] =	ssyncset.done $0x0  }
0x39: {  	[sflag:s13] =	ssyncadd.s32 $0xFFFFC000  }
0x3a: {  	[bflag:$0x0] =	sbarrier.arrive $0xFFFF  }
0x3b: {  	s7 =	rddreg [dreg:$0x5]  }
0x3c: {  	[tilespmem:s14], [sflag:$0x3] =	stream.linear.gather [hbm4b:s7+s5], $0x80, $0x38;
	[tilespmem:$0x1CB00] =	vst v63  }
0x3d: {  	_ =	swait.ge [sflag:s13], $0x80  }
0x3e: {  	[sflag:s13] =	ssyncset.done $0x0  }
0x3f: {  	[sflag:s13] =	ssyncadd.s32 $0xFFFFFF80  }
0x40: {  	[tilespmem:s15], [sflag:$0x3] =	stream.linear.gather [hbm4b:s25+s5], $0x80, $0x38;
	[tilespmem:$0x1CB00] =	vst v63  }
0x41: {  	_ =	swait.ge [sflag:s13], $0x80  }
0x42: {  	[sflag:s13] =	ssyncset.done $0x0  }
0x43: {  	[sflag:s13] =	ssyncadd.s32 $0xFFFFFF80  }
0x44: {  	[tilespmem:s12], [sflag:$0x1] =	stream.indirect.gather [hbm4b:s1+s16], $0x80, s14, s16, $0xb8;
	[tilespmem:$0x1CB00] =	vst v63  }
0x45: {  	s8 =	rddreg [dreg:$0x11]  }
0x46: {  	[tilespmem:s17], [sflag:$0x3] =	stream.linear.gather [hbm4b:s8+s5], $0x80, $0x38;
	[tilespmem:$0x1CB00] =	vst v63  }
0x47: {  	_ =	swait.ge [sflag:s13], $0x80  }
0x48: {  	[sflag:s13] =	ssyncset.done $0x0  }
0x49: {  	s11 =	rddreg [dreg:$0x12];
	[sflag:s13] =	ssyncadd.s32 $0xFFFFFF80  }
0x4a: {  	[tilespmem:s18], [sflag:$0x3] =	stream.linear.gather [hbm4b:s11+s5], $0x80, $0x38;
	[tilespmem:$0x1CB00] =	vst v63  }
0x4b: {  	_ =	swait.ge [sflag:s13], $0x80  }
0x4c: {  	[sflag:s13] =	ssyncset.done $0x0  }
0x4d: {  	[sflag:s13] =	ssyncadd.s32 $0xFFFFFF80  }
0x4e: {  	[tilespmem:s19], [sflag:$0x2] =	stream.indirect.gather [hbm4b:s1+s16], $0x80, s17, s16, $0xb8;
	[tilespmem:$0x1CB00] =	vst v63  }
0x4f: {  	_ =	swait.ge [sflag:s20], $0x4000  }
0x50: {  	[sflag:s20] =	ssyncset.done $0x0  }
0x51: {  	[sflag:s20] =	ssyncadd.s32 $0xFFFFC000  }
0x52: {  	[spmem:s4] =	stream.indirect.scatter.add.f32 [tilespmem:s12], [sflag:$0x3], $0x80, s15, s16, $0xb8;
	[tilespmem:$0x1CB00] =	vst v63  }
0x53: {  	_ =	swait.ge [sflag:s13], $0x4000  }
0x54: {  	s11 =	rddreg [dreg:$0x16]  }
0x55: {  	[sflag:s13] =	ssyncset.done $0x0;
	s23 =	sshrl.u32 s11, $0x3  }
0x56: {  	[sflag:s13] =	ssyncadd.s32 $0xFFFFC000;
	s8 =	sadd.s32 s6, s23  }
0x57: {  	[tilespmem:s14], [sflag:$0x3] =	stream.linear.gather [hbm4b:s8+s5], $0x80, $0x38;
	[tilespmem:$0x1CB00] =	vst v63  }
0x58: {  	_ =	swait.ge [sflag:s13], $0x80  }
0x59: {  	[sflag:s13] =	ssyncset.done $0x0  }
0x5a: {  	s7 =	sadd.s32 s2, s23;
	[sflag:s13] =	ssyncadd.s32 $0xFFFFFF80  }
0x5b: {  	[tilespmem:s15], [sflag:$0x3] =	stream.linear.gather [hbm4b:s7+s5], $0x80, $0x38;
	[tilespmem:$0x1CB00] =	vst v63  }
0x5c: {  	_ =	swait.ge [sflag:s13], $0x80  }
0x5d: {  	[sflag:s13] =	ssyncset.done $0x0  }
0x5e: {  	[sflag:s13] =	ssyncadd.s32 $0xFFFFFF80  }
0x5f: {  	[tilespmem:s12], [sflag:$0x1] =	stream.indirect.gather [hbm4b:s1+s16], $0x80, s14, s16, $0xb8;
	[tilespmem:$0x1CB00] =	vst v63  }
0x60: {  	_ =	swait.ge [sflag:s21], $0x4000  }
0x61: {  	[sflag:s21] =	ssyncset.done $0x0  }
0x62: {  	[sflag:s21] =	ssyncadd.s32 $0xFFFFC000  }
0x63: {  	[spmem:s4] =	stream.indirect.scatter.add.f32 [tilespmem:s19], [sflag:$0x3], $0x80, s18, s16, $0xb8;
	[tilespmem:$0x1CB00] =	vst v63  }
0x64: {  	_ =	swait.ge [sflag:s13], $0x4000  }
0x65: {  	[sflag:s13] =	ssyncset.done $0x0  }
0x66: {  	s22 =	smov.u32 s24;
	s24 =	sadd.s32 $0x0, s29;
	[sflag:s13] =	ssyncadd.s32 $0xFFFFC000  }
0x67: {  	[tilespmem:s17], [sflag:$0x3] =	stream.linear.gather [hbm4b:s24+s5], $0x80, $0x38;
	[tilespmem:$0x1CB00] =	vst v63  }
0x68: {  	_ =	swait.ge [sflag:s13], $0x80  }
0x69: {  	[sflag:s13] =	ssyncset.done $0x0  }
0x6a: {  	s25 =	sadd.s32 $0x0, s28;
	[sflag:s13] =	ssyncadd.s32 $0xFFFFFF80  }
0x6b: {  	[tilespmem:s18], [sflag:$0x3] =	stream.linear.gather [hbm4b:s25+s5], $0x80, $0x38;
	[tilespmem:$0x1CB00] =	vst v63  }
0x6c: {  	_ =	swait.ge [sflag:s13], $0x80  }
0x6d: {  	[sflag:s13] =	ssyncset.done $0x0  }
0x6e: {  	s11 =	sadd.s32 $0x100, s11;
	s8 =	simm.s32 $0x20;
	[sflag:s13] =	ssyncadd.s32 $0xFFFFFF80  }
.LBB2_2:
0x6f: {  	[tilespmem:s19], [sflag:$0x2] =	stream.indirect.gather [hbm4b:s1+s16], $0x80, s17, s16, $0xb8;
	[tilespmem:$0x1CB00] =	vst v63  }
0x70: {  	s23 =	smov.u32 s8  }
0x71: {  	p0 =	sne.s32 s8, $0x4A0;
	s8 =	sadd.s32 $0x20, s8;
	_ =	swait.ge [sflag:s20], $0x4000  }
0x72: {  	[sflag:s20] =	ssyncset.done $0x0  }
0x73: {  	[sflag:s20] =	ssyncadd.s32 $0xFFFFC000  }
0x74: {  	[spmem:s4] =	stream.indirect.scatter.add.f32 [tilespmem:s12], [sflag:$0x3], $0x80, s15, s16, $0xb8;
	[tilespmem:$0x1CB00] =	vst v63  }
0x75: {  	_ =	swait.ge [sflag:s13], $0x4000  }
0x76: {  	s25 =	sshrl.u32 s11, $0x3;
	[sflag:s13] =	ssyncset.done $0x0  }
0x77: {  	s24 =	sadd.s32 s6, s25;
	[sflag:s13] =	ssyncadd.s32 $0xFFFFC000  }
0x78: {  	[tilespmem:s14], [sflag:$0x3] =	stream.linear.gather [hbm4b:s24+s5], $0x80, $0x38;
	[tilespmem:$0x1CB00] =	vst v63  }
0x79: {  	_ =	swait.ge [sflag:s13], $0x80  }
0x7a: {  	[sflag:s13] =	ssyncset.done $0x0  }
0x7b: {  	s24 =	sadd.s32 s2, s25;
	[sflag:s13] =	ssyncadd.s32 $0xFFFFFF80  }
0x7c: {  	[tilespmem:s15], [sflag:$0x3] =	stream.linear.gather [hbm4b:s24+s5], $0x80, $0x38;
	[tilespmem:$0x1CB00] =	vst v63  }
0x7d: {  	_ =	swait.ge [sflag:s13], $0x80  }
0x7e: {  	[sflag:s13] =	ssyncset.done $0x0  }
0x7f: {  	[sflag:s13] =	ssyncadd.s32 $0xFFFFFF80  }
0x80: {  	[tilespmem:s12], [sflag:$0x1] =	stream.indirect.gather [hbm4b:s1+s16], $0x80, s14, s16, $0xb8;
	[tilespmem:$0x1CB00] =	vst v63  }
0x81: {  	_ =	swait.ge [sflag:s21], $0x4000  }
0x82: {  	[sflag:s21] =	ssyncset.done $0x0  }
0x83: {  	[sflag:s21] =	ssyncadd.s32 $0xFFFFC000  }
0x84: {  	[spmem:s4] =	stream.indirect.scatter.add.f32 [tilespmem:s19], [sflag:$0x3], $0x80, s18, s16, $0xb8;
	[tilespmem:$0x1CB00] =	vst v63  }
0x85: {  	_ =	swait.ge [sflag:s13], $0x4000  }
0x86: {  	[sflag:s13] =	ssyncset.done $0x0  }
0x87: {  	s24 =	sadd.s32 s23, s29;
	[sflag:s13] =	ssyncadd.s32 $0xFFFFC000  }
0x88: {  	[tilespmem:s17], [sflag:$0x3] =	stream.linear.gather [hbm4b:s24+s5], $0x80, $0x38;
	[tilespmem:$0x1CB00] =	vst v63  }
0x89: {  	_ =	swait.ge [sflag:s13], $0x80  }
0x8a: {  	[sflag:s13] =	ssyncset.done $0x0  }
.Ltmp0:
0x8b: {  	s23 =	sadd.s32 s23, s28;
	[sflag:s13] =	ssyncadd.s32 $0xFFFFFF80;
	(pc) =	sbr.rel @p0 .LBB2_2-.Ltmp0, $4  }
0x8c: {  	[tilespmem:s18], [sflag:$0x3] =	stream.linear.gather [hbm4b:s23+s5], $0x80, $0x38;
	[tilespmem:$0x1CB00] =	vst v63  }
0x8d: {  	_ =	swait.ge [sflag:s13], $0x80  }
0x8e: {  	[sflag:s13] =	ssyncset.done $0x0  }
0x8f: {  	s11 =	sadd.s32 $0x100, s11;
	[sflag:s13] =	ssyncadd.s32 $0xFFFFFF80  }
0x90: {  	[tilespmem:s19], [sflag:$0x2] =	stream.indirect.gather [hbm4b:s1+s16], $0x80, s17, s16, $0xb8;
	[tilespmem:$0x1CB00] =	vst v63  }
0x91: {  	_ =	swait.ge [sflag:s20], $0x4000  }
0x92: {  	[sflag:s20] =	ssyncset.done $0x0  }
0x93: {  	[sflag:s20] =	ssyncadd.s32 $0xFFFFC000  }
0x94: {  	[spmem:s4] =	stream.indirect.scatter.add.f32 [tilespmem:s12], [sflag:$0x3], $0x80, s15, s16, $0xb8;
	[tilespmem:$0x1CB00] =	vst v63  }
0x95: {  	_ =	swait.ge [sflag:s13], $0x4000  }
0x96: {  	[sflag:s13] =	ssyncset.done $0x0  }
0x97: {  	[sflag:s13] =	ssyncadd.s32 $0xFFFFC000  }
0x98: {  	_ =	swait.ge [sflag:s21], $0x4000  }
0x99: {  	[sflag:s21] =	ssyncset.done $0x0  }
0x9a: {  	[sflag:s21] =	ssyncadd.s32 $0xFFFFC000  }
0x9b: {  	[spmem:s4] =	stream.indirect.scatter.add.f32 [tilespmem:s19], [sflag:$0x3], $0x80, s18, s16, $0xb8;
	[tilespmem:$0x1CB00] =	vst v63  }
0x9c: {  	_ =	swait.ge [sflag:s13], $0x4000  }
0x9d: {  	s8 =	simm.s32 $0x0;
	[sflag:s13] =	ssyncset.done $0x0  }
0x9e: {  	s23 =	simm.s32 $0x1C200;
	s11 =	rddreg [dreg:$0x13];
	[sflag:s13] =	ssyncadd.s32 $0xFFFFC000  }
0x9f: {  	[tilespmem:s23], [sflag:$0x3] =	stream.linear.gather [hbm4b:s11+s8], $0x10, $0x38;
	[tilespmem:$0x1CB00] =	vst v63  }
0xa0: {  	_ =	swait.ge [sflag:s13], $0x10  }
0xa1: {  	[sflag:s13] =	ssyncset.done $0x0  }
0xa2: {  	s24 =	simm.s32 $0x1C280;
	s25 =	rddreg [dreg:$0x14];
	[sflag:s13] =	ssyncadd.s32 $0xFFFFFFF0  }
0xa3: {  	[tilespmem:s24], [sflag:$0x3] =	stream.linear.gather [hbm4b:s25+s8], $0x10, $0x38;
	[tilespmem:$0x1CB00] =	vst v63  }
0xa4: {  	_ =	swait.ge [sflag:s13], $0x10  }
0xa5: {  	[sflag:s13] =	ssyncset.done $0x0  }
0xa6: {  	s11 =	simm.s32 $0x10;
	s25 =	simm.s32 $0x1C300;
	[sflag:s13] =	ssyncadd.s32 $0xFFFFFFF0  }
0xa7: {  	[tilespmem:s25], [sflag:$0x1] =	stream.indirect.gather [hbm4b:s1+s11], $0x80, s23, s11, $0xb8;
	[tilespmem:$0x1CB00] =	vst v63  }
0xa8: {  	_ =	swait.ge [sflag:s20], $0x800  }
0xa9: {  	[sflag:s20] =	ssyncset.done $0x0  }
0xaa: {  	[sflag:s20] =	ssyncadd.s32 $0xFFFFF800  }
0xab: {  	[spmem:s4] =	stream.indirect.scatter.add.f32 [tilespmem:s25], [sflag:$0x3], $0x80, s24, s11, $0xb8;
	[tilespmem:$0x1CB00] =	vst v63  }
0xac: {  	_ =	swait.ge [sflag:s13], $0x800  }
0xad: {  	[sflag:s13] =	ssyncset.done $0x0  }
0xae: {  	[sflag:s13] =	ssyncadd.s32 $0xFFFFF800  }
0xaf: {  	[bflag:$0x0] =	sbarrier.arrive $0xFFFF  }
0xb0: {  	[tilespmem:s12], [sflag:$0x3] =	stream.linear.gather [spmem:s9], $0x4000, $0x38;
	[tilespmem:$0x1CB00] =	vst v63  }
0xb1: {  	_ =	swait.ge [sflag:s13], $0x4000  }
0xb2: {  	[sflag:s13] =	ssyncset.done $0x0  }
0xb3: {  	s24 =	rddreg [dreg:$0x7];
	[sflag:s13] =	ssyncadd.s32 $0xFFFFC000  }
0xb4: {  	[hbm4b:s24+s8] =	stream.linear.scatter [tilespmem:s12], [sflag:$0x3], $0x4000, $0x38;
	[tilespmem:$0x1CB00] =	vst v63  }
0xb5: {  	_ =	swait.ge [sflag:s13], $0x4000  }
0xb6: {  	[sflag:s13] =	ssyncset.done $0x0  }
0xb7: {  	[sflag:s13] =	ssyncadd.s32 $0xFFFFC000  }
0xb8: {  	[tilespmem:s12], [sflag:$0x3] =	stream.linear.gather [spmem:s31], $0x4000, $0x38;
	[tilespmem:$0x1CB00] =	vst v63  }
0xb9: {  	_ =	swait.ge [sflag:s13], $0x4000  }
0xba: {  	[sflag:s13] =	ssyncset.done $0x0  }
0xbb: {  	s25 =	rddreg [dreg:$0x8];
	[sflag:s13] =	ssyncadd.s32 $0xFFFFC000  }
0xbc: {  	[hbm4b:s25+s8] =	stream.linear.scatter [tilespmem:s12], [sflag:$0x3], $0x4000, $0x38;
	[tilespmem:$0x1CB00] =	vst v63  }
0xbd: {  	_ =	swait.ge [sflag:s13], $0x4000  }
0xbe: {  	[sflag:s13] =	ssyncset.done $0x0  }
0xbf: {  	[sflag:s13] =	ssyncadd.s32 $0xFFFFC000  }
0xc0: {  	[tilespmem:s12], [sflag:$0x3] =	stream.linear.gather [spmem:s0], $0x4000, $0x38;
	[tilespmem:$0x1CB00] =	vst v63  }
0xc1: {  	_ =	swait.ge [sflag:s13], $0x4000  }
0xc2: {  	[sflag:s13] =	ssyncset.done $0x0  }
0xc3: {  	s23 =	rddreg [dreg:$0x9];
	[sflag:s13] =	ssyncadd.s32 $0xFFFFC000  }
0xc4: {  	[hbm4b:s23+s8] =	stream.linear.scatter [tilespmem:s12], [sflag:$0x3], $0x4000, $0x38;
	[tilespmem:$0x1CB00] =	vst v63  }
0xc5: {  	_ =	swait.ge [sflag:s13], $0x4000  }
0xc6: {  	[sflag:s13] =	ssyncset.done $0x0  }
0xc7: {  	[sflag:s13] =	ssyncadd.s32 $0xFFFFC000  }
0xc8: {  	[tilespmem:s12], [sflag:$0x3] =	stream.linear.gather [spmem:s3], $0x4000, $0x38;
	[tilespmem:$0x1CB00] =	vst v63  }
0xc9: {  	_ =	swait.ge [sflag:s13], $0x4000  }
0xca: {  	[sflag:s13] =	ssyncset.done $0x0  }
0xcb: {  	s24 =	rddreg [dreg:$0xa];
	[sflag:s13] =	ssyncadd.s32 $0xFFFFC000  }
0xcc: {  	[hbm4b:s24+s8] =	stream.linear.scatter [tilespmem:s12], [sflag:$0x3], $0x4000, $0x38;
	[tilespmem:$0x1CB00] =	vst v63  }
0xcd: {  	_ =	swait.ge [sflag:s13], $0x4000  }
0xce: {  	[sflag:s13] =	ssyncset.done $0x0  }
0xcf: {  	[sflag:s13] =	ssyncadd.s32 $0xFFFFC000  }
0xd0: {  	[tilespmem:s12], [sflag:$0x3] =	stream.linear.gather [spmem:s10], $0x4000, $0x38;
	[tilespmem:$0x1CB00] =	vst v63  }
0xd1: {  	_ =	swait.ge [sflag:s13], $0x4000  }
0xd2: {  	[sflag:s13] =	ssyncset.done $0x0  }
0xd3: {  	s25 =	rddreg [dreg:$0xb];
	[sflag:s13] =	ssyncadd.s32 $0xFFFFC000  }
0xd4: {  	[hbm4b:s25+s8] =	stream.linear.scatter [tilespmem:s12], [sflag:$0x3], $0x4000, $0x38;
	[tilespmem:$0x1CB00] =	vst v63  }
0xd5: {  	_ =	swait.ge [sflag:s13], $0x4000  }
0xd6: {  	[sflag:s13] =	ssyncset.done $0x0  }
0xd7: {  	[sflag:s13] =	ssyncadd.s32 $0xFFFFC000  }
0xd8: {  	[bflag:$0x0] =	sbarrier.arrive $0xFFFF  }
0xd9: {  	[tilespmem:s12], [sflag:$0x3] =	stream.linear.gather [hbm4b:s22+s8], $0x4000, $0x38;
	[tilespmem:$0x1CB00] =	vst v63  }
0xda: {  	_ =	swait.ge [sflag:s13], $0x4000  }
0xdb: {  	[sflag:s13] =	ssyncset.done $0x0  }
0xdc: {  	[sflag:s13] =	ssyncadd.s32 $0xFFFFC000  }
0xdd: {  	[spmem:s9] =	stream.linear.scatter [tilespmem:s12], [sflag:$0x3], $0x4000, $0x38;
	[tilespmem:$0x1CB00] =	vst v63  }
0xde: {  	_ =	swait.ge [sflag:s13], $0x4000  }
0xdf: {  	[sflag:s13] =	ssyncset.done $0x0  }
0xe0: {  	[sflag:s13] =	ssyncadd.s32 $0xFFFFC000  }
0xe1: {  	[spmem:s31] =	stream.linear.scatter [tilespmem:s12], [sflag:$0x3], $0x4000, $0x38;
	[tilespmem:$0x1CB00] =	vst v63  }
0xe2: {  	_ =	swait.ge [sflag:s13], $0x4000  }
0xe3: {  	[sflag:s13] =	ssyncset.done $0x0  }
0xe4: {  	[sflag:s13] =	ssyncadd.s32 $0xFFFFC000  }
0xe5: {  	[spmem:s0] =	stream.linear.scatter [tilespmem:s12], [sflag:$0x3], $0x4000, $0x38;
	[tilespmem:$0x1CB00] =	vst v63  }
0xe6: {  	_ =	swait.ge [sflag:s13], $0x4000  }
0xe7: {  	[sflag:s13] =	ssyncset.done $0x0  }
0xe8: {  	[sflag:s13] =	ssyncadd.s32 $0xFFFFC000  }
0xe9: {  	[spmem:s3] =	stream.linear.scatter [tilespmem:s12], [sflag:$0x3], $0x4000, $0x38;
	[tilespmem:$0x1CB00] =	vst v63  }
0xea: {  	_ =	swait.ge [sflag:s13], $0x4000  }
0xeb: {  	[sflag:s13] =	ssyncset.done $0x0  }
0xec: {  	[sflag:s13] =	ssyncadd.s32 $0xFFFFC000  }
0xed: {  	[spmem:s10] =	stream.linear.scatter [tilespmem:s12], [sflag:$0x3], $0x4000, $0x38;
	[tilespmem:$0x1CB00] =	vst v63  }
0xee: {  	_ =	swait.ge [sflag:s13], $0x4000  }
0xef: {  	[sflag:s13] =	ssyncset.done $0x0  }
0xf0: {  	[sflag:s13] =	ssyncadd.s32 $0xFFFFC000  }
0xf1: {  	[bflag:$0x0] =	sbarrier.arrive $0xFFFF  }
0xf2: {  	[tilespmem:s19], [sflag:$0x3] =	stream.linear.gather [hbm4b:s30+s8], $0x4000, $0x38;
	[tilespmem:$0x1CB00] =	vst v63  }
0xf3: {  	_ =	swait.ge [sflag:s13], $0x4000  }
0xf4: {  	[sflag:s13] =	ssyncset.done $0x0  }
0xf5: {  	s25 =	rddreg [dreg:$0x6];
	[sflag:s13] =	ssyncadd.s32 $0xFFFFC000  }
0xf6: {  	[tilespmem:s15], [sflag:$0x1] =	stream.linear.gather [hbm4b:s25+s8], $0x80, $0x38;
	[tilespmem:$0x1CB00] =	vst v63  }
0xf7: {  	s24 =	smov.u32 s22;
	s22 =	rddreg [dreg:$0x12]  }
0xf8: {  	[tilespmem:s18], [sflag:$0x2] =	stream.linear.gather [hbm4b:s22+s8], $0x80, $0x38;
	[tilespmem:$0x1CB00] =	vst v63  }
0xf9: {  	_ =	swait.ge [sflag:s20], $0x80  }
0xfa: {  	[sflag:s20] =	ssyncset.done $0x0  }
0xfb: {  	[sflag:s20] =	ssyncadd.s32 $0xFFFFFF80  }
0xfc: {  	[spmem:s4] =	stream.indirect.scatter.add.f32 [tilespmem:s19], [sflag:$0x3], $0x80, s15, s16, $0xb8;
	[tilespmem:$0x1CB00] =	vst v63  }
0xfd: {  	_ =	swait.ge [sflag:s13], $0x4000  }
0xfe: {  	[sflag:s13] =	ssyncset.done $0x0  }
0xff: {  	[sflag:s13] =	ssyncadd.s32 $0xFFFFC000  }
0x100: {  	[tilespmem:s15], [sflag:$0x1] =	stream.linear.gather [hbm4b:s7+s5], $0x80, $0x38;
	[tilespmem:$0x1CB00] =	vst v63  }
0x101: {  	_ =	swait.ge [sflag:s21], $0x80  }
0x102: {  	[sflag:s21] =	ssyncset.done $0x0  }
0x103: {  	[sflag:s21] =	ssyncadd.s32 $0xFFFFFF80  }
0x104: {  	[spmem:s4] =	stream.indirect.scatter.add.f32 [tilespmem:s19], [sflag:$0x3], $0x80, s18, s16, $0xb8;
	[tilespmem:$0x1CB00] =	vst v63  }
0x105: {  	_ =	swait.ge [sflag:s13], $0x4000  }
0x106: {  	s11 =	sadd.s32 $0x0, s28;
	[sflag:s13] =	ssyncset.done $0x0;
	s23 =	rddreg [dreg:$0x16]  }
0x107: {  	s7 =	simm.s32 $0x20;
	[sflag:s13] =	ssyncadd.s32 $0xFFFFC000;
	s8 =	sadd.s32 $0x100, s23  }
.LBB2_4:
0x108: {  	[tilespmem:s18], [sflag:$0x2] =	stream.linear.gather [hbm4b:s11+s5], $0x80, $0x38;
	[tilespmem:$0x1CB00] =	vst v63  }
0x109: {  	s11 =	smov.u32 s7  }
0x10a: {  	p0 =	sne.s32 s7, $0x4A0;
	s7 =	sadd.s32 $0x20, s7;
	_ =	swait.ge [sflag:s20], $0x80  }
0x10b: {  	[sflag:s20] =	ssyncset.done $0x0  }
0x10c: {  	[sflag:s20] =	ssyncadd.s32 $0xFFFFFF80  }
0x10d: {  	[spmem:s4] =	stream.indirect.scatter.add.f32 [tilespmem:s19], [sflag:$0x3], $0x80, s15, s16, $0xb8;
	[tilespmem:$0x1CB00] =	vst v63  }
0x10e: {  	_ =	swait.ge [sflag:s13], $0x4000  }
0x10f: {  	s23 =	sshrl.u32 s8, $0x3;
	[sflag:s13] =	ssyncset.done $0x0  }
0x110: {  	s23 =	sadd.s32 s2, s23;
	[sflag:s13] =	ssyncadd.s32 $0xFFFFC000  }
0x111: {  	[tilespmem:s15], [sflag:$0x1] =	stream.linear.gather [hbm4b:s23+s5], $0x80, $0x38;
	[tilespmem:$0x1CB00] =	vst v63  }
0x112: {  	_ =	swait.ge [sflag:s21], $0x80  }
0x113: {  	[sflag:s21] =	ssyncset.done $0x0  }
.Ltmp1:
0x114: {  	[sflag:s21] =	ssyncadd.s32 $0xFFFFFF80;
	(pc) =	sbr.rel @p0 .LBB2_4-.Ltmp1, $4  }
0x115: {  	[spmem:s4] =	stream.indirect.scatter.add.f32 [tilespmem:s19], [sflag:$0x3], $0x80, s18, s16, $0xb8;
	[tilespmem:$0x1CB00] =	vst v63  }
0x116: {  	_ =	swait.ge [sflag:s13], $0x4000  }
0x117: {  	[sflag:s13] =	ssyncset.done $0x0  }
0x118: {  	s8 =	sadd.s32 $0x100, s8;
	s11 =	sadd.s32 s11, s28;
	[sflag:s13] =	ssyncadd.s32 $0xFFFFC000  }
0x119: {  	[tilespmem:s18], [sflag:$0x2] =	stream.linear.gather [hbm4b:s11+s5], $0x80, $0x38;
	[tilespmem:$0x1CB00] =	vst v63  }
0x11a: {  	_ =	swait.ge [sflag:s20], $0x80  }
0x11b: {  	[sflag:s20] =	ssyncset.done $0x0  }
0x11c: {  	[sflag:s20] =	ssyncadd.s32 $0xFFFFFF80  }
0x11d: {  	[spmem:s4] =	stream.indirect.scatter.add.f32 [tilespmem:s19], [sflag:$0x3], $0x80, s15, s16, $0xb8;
	[tilespmem:$0x1CB00] =	vst v63  }
0x11e: {  	_ =	swait.ge [sflag:s13], $0x4000  }
0x11f: {  	[sflag:s13] =	ssyncset.done $0x0  }
0x120: {  	[sflag:s13] =	ssyncadd.s32 $0xFFFFC000  }
0x121: {  	_ =	swait.ge [sflag:s21], $0x80  }
0x122: {  	[sflag:s21] =	ssyncset.done $0x0  }
0x123: {  	[sflag:s21] =	ssyncadd.s32 $0xFFFFFF80  }
0x124: {  	[spmem:s4] =	stream.indirect.scatter.add.f32 [tilespmem:s19], [sflag:$0x3], $0x80, s18, s16, $0xb8;
	[tilespmem:$0x1CB00] =	vst v63  }
0x125: {  	_ =	swait.ge [sflag:s13], $0x4000  }
0x126: {  	[sflag:s13] =	ssyncset.done $0x0  }
0x127: {  	s8 =	simm.s32 $0x1C280;
	s7 =	rddreg [dreg:$0x14];
	[sflag:s13] =	ssyncadd.s32 $0xFFFFC000  }
0x128: {  	[tilespmem:s8], [sflag:$0x3] =	stream.linear.gather [hbm4b:s7+s5], $0x10, $0x38;
	[tilespmem:$0x1CB00] =	vst v63  }
0x129: {  	_ =	swait.ge [sflag:s13], $0x10  }
0x12a: {  	[sflag:s13] =	ssyncset.done $0x0  }
0x12b: {  	s22 =	simm.s32 $0x1C300;
	[sflag:s13] =	ssyncadd.s32 $0xFFFFFFF0  }
0x12c: {  	[tilespmem:s22], [sflag:$0x3] =	stream.linear.gather [hbm4b:s30+s5], $0x800, $0x38;
	[tilespmem:$0x1CB00] =	vst v63  }
0x12d: {  	_ =	swait.ge [sflag:s13], $0x800  }
0x12e: {  	[sflag:s13] =	ssyncset.done $0x0  }
0x12f: {  	s23 =	simm.s32 $0x10;
	[sflag:s13] =	ssyncadd.s32 $0xFFFFF800  }
0x130: {  	[spmem:s4] =	stream.indirect.scatter.add.f32 [tilespmem:s22], [sflag:$0x3], $0x80, s8, s23, $0xb8;
	[tilespmem:$0x1CB00] =	vst v63  }
0x131: {  	_ =	swait.ge [sflag:s13], $0x800  }
0x132: {  	[sflag:s13] =	ssyncset.done $0x0  }
0x133: {  	[sflag:s13] =	ssyncadd.s32 $0xFFFFF800  }
0x134: {  	[bflag:$0x0] =	sbarrier.arrive $0xFFFF  }
0x135: {  	[tilespmem:s12], [sflag:$0x3] =	stream.linear.gather [spmem:s9], $0x4000, $0x38;
	[tilespmem:$0x1CB00] =	vst v63  }
0x136: {  	_ =	swait.ge [sflag:s13], $0x4000  }
0x137: {  	[sflag:s13] =	ssyncset.done $0x0  }
0x138: {  	s22 =	rddreg [dreg:$0xc];
	[sflag:s13] =	ssyncadd.s32 $0xFFFFC000  }
0x139: {  	[hbm4b:s22+s5] =	stream.linear.scatter [tilespmem:s12], [sflag:$0x3], $0x4000, $0x38;
	[tilespmem:$0x1CB00] =	vst v63  }
0x13a: {  	_ =	swait.ge [sflag:s13], $0x4000  }
0x13b: {  	[sflag:s13] =	ssyncset.done $0x0  }
0x13c: {  	[sflag:s13] =	ssyncadd.s32 $0xFFFFC000  }
0x13d: {  	[tilespmem:s12], [sflag:$0x3] =	stream.linear.gather [spmem:s31], $0x4000, $0x38;
	[tilespmem:$0x1CB00] =	vst v63  }
0x13e: {  	_ =	swait.ge [sflag:s13], $0x4000  }
0x13f: {  	[sflag:s13] =	ssyncset.done $0x0  }
0x140: {  	s23 =	rddreg [dreg:$0xd];
	[sflag:s13] =	ssyncadd.s32 $0xFFFFC000  }
0x141: {  	[hbm4b:s23+s5] =	stream.linear.scatter [tilespmem:s12], [sflag:$0x3], $0x4000, $0x38;
	[tilespmem:$0x1CB00] =	vst v63  }
0x142: {  	_ =	swait.ge [sflag:s13], $0x4000  }
0x143: {  	[sflag:s13] =	ssyncset.done $0x0  }
0x144: {  	[sflag:s13] =	ssyncadd.s32 $0xFFFFC000  }
0x145: {  	[tilespmem:s12], [sflag:$0x3] =	stream.linear.gather [spmem:s0], $0x4000, $0x38;
	[tilespmem:$0x1CB00] =	vst v63  }
0x146: {  	_ =	swait.ge [sflag:s13], $0x4000  }
0x147: {  	[sflag:s13] =	ssyncset.done $0x0  }
0x148: {  	s8 =	rddreg [dreg:$0xe];
	[sflag:s13] =	ssyncadd.s32 $0xFFFFC000  }
0x149: {  	[hbm4b:s8+s5] =	stream.linear.scatter [tilespmem:s12], [sflag:$0x3], $0x4000, $0x38;
	[tilespmem:$0x1CB00] =	vst v63  }
0x14a: {  	_ =	swait.ge [sflag:s13], $0x4000  }
0x14b: {  	[sflag:s13] =	ssyncset.done $0x0  }
0x14c: {  	[sflag:s13] =	ssyncadd.s32 $0xFFFFC000  }
0x14d: {  	[tilespmem:s12], [sflag:$0x3] =	stream.linear.gather [spmem:s3], $0x4000, $0x38;
	[tilespmem:$0x1CB00] =	vst v63  }
0x14e: {  	_ =	swait.ge [sflag:s13], $0x4000  }
0x14f: {  	[sflag:s13] =	ssyncset.done $0x0  }
0x150: {  	s11 =	rddreg [dreg:$0xf];
	[sflag:s13] =	ssyncadd.s32 $0xFFFFC000  }
0x151: {  	[hbm4b:s11+s5] =	stream.linear.scatter [tilespmem:s12], [sflag:$0x3], $0x4000, $0x38;
	[tilespmem:$0x1CB00] =	vst v63  }
0x152: {  	_ =	swait.ge [sflag:s13], $0x4000  }
0x153: {  	[sflag:s13] =	ssyncset.done $0x0  }
0x154: {  	[sflag:s13] =	ssyncadd.s32 $0xFFFFC000  }
0x155: {  	[tilespmem:s12], [sflag:$0x3] =	stream.linear.gather [spmem:s10], $0x4000, $0x38;
	[tilespmem:$0x1CB00] =	vst v63  }
0x156: {  	_ =	swait.ge [sflag:s13], $0x4000  }
0x157: {  	[sflag:s13] =	ssyncset.done $0x0  }
0x158: {  	s22 =	rddreg [dreg:$0x10];
	[sflag:s13] =	ssyncadd.s32 $0xFFFFC000  }
0x159: {  	[hbm4b:s22+s5] =	stream.linear.scatter [tilespmem:s12], [sflag:$0x3], $0x4000, $0x38;
	[tilespmem:$0x1CB00] =	vst v63  }
0x15a: {  	_ =	swait.ge [sflag:s13], $0x4000  }
0x15b: {  	s26 =	sadd.s32 $0x1, s26;
	s23 =	rddreg [dreg:$0x15]  }
0x15c: {  	p0 =	sne.s32 s26, s23  }
.Ltmp2:
0x15d: {  	_ = 	snop;
	(pc) =	sbr.rel @p0 .LBB2_1-.Ltmp2, $3  }
0x15e: {  	_ =	sdelay $0x1  }
0x15f: {  	[sflag:s13] =	ssyncset.done $0x0  }
0x160: {  	[sflag:s13] =	ssyncadd.s32 $0xFFFFC000  }
0x161: {  	_ =	sfence.sel $0x180000  }
0x162: {  	[bflag:$0x0] =	sbarrier.arrive $0xFFFF  }
0x163: {  	_ =	strace $0x90000047  }
0x164: {  	s0 =	stileid.u32;
	[bflag:$0x2] =	sbarrier.arrive $0xFFFF  }
0x165: {  	p0 =	sne.s32 s0, $0x0;
	s0 =	rddreg [dreg:$0x4]  }
0x166: {  	s0 =	sadd.s32 @!p0 $0x100000, s0  }
0x167: {  	[sflag:s0] =	ssyncadd.tile.s32 @!p0 $0x1;
	_ =	shalt  }
.Lfunc_end2:
_tile_overlayer_lowered:
.L_overlay_start_2:
0x168: {  	(tag) =	ssettag $0x2  }
0x169: {  	s0 =	rddreg [dreg:$0x0];
	s2 =	stileid.u32  }
0x16a: {  	s1 =	rddreg [dreg:$0x1];
	p0 =	sne.s32 s2, $0x0  }
0x16b: {  	s3 =	rddreg [dreg:$0x2];
	[bflag:$0x3] =	sbarrier.arrive $0xFFFF;
	s2 =	simm.s32 @!p0 $0x1C03  }
0x16c: {  	[timem:s3], [sflag:s2] =	dma.local @!p0 [hbm:s0], s1  }
0x16d: {  	s0 =	simm.s32 @!p0 $0x3  }
0x16e: {  	_ =	swait.ge @!p0 [sflag:s0], s1  }
0x16f: {  	s1 =	ssub.s32 @!p0 $0x0, s1;
	[sflag:s0] =	ssyncset.done @!p0 $0x0  }
0x170: {  	[sflag:s0] =	ssyncadd.s32 @!p0 s1  }
0x171: {  	[bflag:$0x3] =	sbarrier.arrive $0xFFFF  }
0x172: {  	_ =	shalt  }

</sc_bundles>
